<compile_context>
chip_gen: v7x
topology: tpu7x:2x2x1
jax: 0.10.2.dev20260603
libtpu: 0.0.44.dev20260713+nightly
codegen_flags: <defaults>
</compile_context>

<pallas_src>
import functools

import jax
import jax.numpy as jnp
from jax import lax
from jax.experimental import pallas as pl
from jax.experimental.pallas import tpu as pltpu
from jax.experimental.pallas import tpu_sc as plsc

NC = 2
NS = 16
NW = NC * NS
L = 16
SEG = 64
NSL = SEG + 1
NSTR = 13
VLB_WEIGHT = 0.001

_LN2 = 0.6931471805599453
_SQRT2 = 1.4142135623730951


def _vlog(x):
    xi = lax.bitcast_convert_type(x, jnp.int32)
    e = lax.shift_right_logical(xi, 23) - 127
    mi = lax.bitwise_or(lax.bitwise_and(xi, 0x007FFFFF), 0x3F800000)
    m = lax.bitcast_convert_type(mi, jnp.float32)
    big = m > _SQRT2
    m = jnp.where(big, m * 0.5, m)
    ef = e.astype(jnp.float32) + jnp.where(big, 1.0, 0.0)
    t = (m - 1.0) / (m + 1.0)
    t2 = t * t
    p = 2.0 * t * (1.0 + t2 * (1.0 / 3.0 + t2 * (1.0 / 5.0 + t2 * (1.0 / 7.0))))
    return ef * _LN2 + p


def _contrib(e, n, m, tm, v, tv):
    d = e - n
    dm = m - tm
    klh = _vlog(tv / v) + (v + dm * dm) / tv - 1.0
    return 0.5 * (d * d) + (0.25 * VLB_WEIGHT) * klh


def _sc_partials_kernel(CHN):
    NV = CHN // L
    BLK = NSTR * CHN

    mesh = plsc.VectorSubcoreMesh(core_axis_name="c", subcore_axis_name="s")

    @functools.partial(
        pl.kernel,
        out_type=jax.ShapeDtypeStruct((2, NW, NSL * L), jnp.float32),
        mesh=mesh,
        scratch_types=[
            pltpu.VMEM((BLK,), jnp.float32),
            pltpu.VMEM((NSL * L,), jnp.float32),
            pltpu.VMEM((NSL * L,), jnp.float32),
        ],
    )
    def k(cols, part, blk_v, acc_v, cnt_v):
        wid = lax.axis_index("s") * NC + lax.axis_index("c")
        pltpu.sync_copy(cols.at[pl.ds(wid * BLK, BLK)], blk_v)

        zero = jnp.zeros((L,), jnp.float32)

        def zinit(g, carry):
            goff = pl.multiple_of(g * L, L)
            acc_v[pl.ds(goff, L)] = zero
            cnt_v[pl.ds(goff, L)] = zero
            return carry

        lax.fori_loop(0, NSL, zinit, 0)

        def step(i, carry):
            off = pl.multiple_of(i * L, L)

            def s(j):
                return blk_v[pl.ds(j * CHN + off, L)]

            c0 = _contrib(s(0), s(2), s(4), s(6), s(8), s(10))
            c1 = _contrib(s(1), s(3), s(5), s(7), s(9), s(11))
            idv = lax.bitcast_convert_type(s(12), jnp.int32)
            cnode = c0 + c1

            first = idv[0]
            mf0 = jnp.where(idv == first, 1.0, 0.0)
            goff0 = pl.multiple_of(first * L, L)
            a0 = acc_v[pl.ds(goff0, L)]
            acc_v[pl.ds(goff0, L)] = a0 + cnode * mf0
            c0v = cnt_v[pl.ds(goff0, L)]
            cnt_v[pl.ds(goff0, L)] = c0v + mf0

            @pl.when(idv[L - 1] != first)
            def _tail():
                for t in range(1, L):
                    idt = idv[t]
                    newf = jnp.where(idt != idv[t - 1], 1.0, 0.0)
                    mf = jnp.where(idv == idt, newf, 0.0)
                    goff = pl.multiple_of(idt * L, L)
                    a = acc_v[pl.ds(goff, L)]
                    acc_v[pl.ds(goff, L)] = a + cnode * mf
                    c = cnt_v[pl.ds(goff, L)]
                    cnt_v[pl.ds(goff, L)] = c + mf

            return carry

        lax.fori_loop(0, NV, step, 0)

        pltpu.sync_copy(acc_v, part.at[0, wid])
        pltpu.sync_copy(cnt_v, part.at[1, wid])

    return k


def _combine_kernel(p_ref, o_ref):
    p = p_ref[...].reshape(2, NW, NSL, L)
    s = jnp.sum(p[0, :, :SEG, :], axis=(0, 2))
    c = jnp.sum(p[1, :, :SEG, :], axis=(0, 2))
    o_ref[...] = s / jnp.maximum(c, 1.0)


def kernel(eps_pred, noise_target, mean, true_mean, variance, true_variance,
           batch):
    N = eps_pred.shape[0]
    CHN = ((N + NW * L - 1) // (NW * L)) * L
    P = NW * CHN - N

    v12 = jnp.stack([eps_pred, noise_target, mean, true_mean, variance,
                     true_variance]).transpose(0, 2, 1).reshape(12, N)
    v12 = jnp.pad(v12, ((0, 0), (0, P)), constant_values=1.0)
    batf = lax.bitcast_convert_type(
        jnp.pad(batch, (0, P), constant_values=SEG), jnp.float32)
    cols = (jnp.concatenate([v12, batf[None]])
            .reshape(NSTR, NW, CHN).transpose(1, 0, 2).reshape(-1))

    partials = _sc_partials_kernel(CHN)(cols)

    return pl.pallas_call(
        _combine_kernel,
        out_shape=jax.ShapeDtypeStruct((SEG,), jnp.float32),
    )(partials)

# --- scband reference (transcript-rebuilt; emitter-appended) ---
"""Pipeline reference for scband-polar-geom-hybrid-loss-87505663689145 (READ-ONLY COPY).

The authoritative reference and input builder live on the scoring server;
editing this copy changes nothing except your own understanding.
"""

import jax, jax.numpy as jnp
import numpy as np

N = 100000
B = 64
VLB_WEIGHT = 0.001


def _segment_mean(field, batch, num_segments):
    # scatter(..., reduce='mean'): sum / count (count clamped to >=1 like torch_scatter)
    s = jax.ops.segment_sum(field, batch, num_segments=num_segments)
    cnt = jax.ops.segment_sum(jnp.ones_like(field), batch, num_segments=num_segments)
    return s / jnp.maximum(cnt, 1.0)


def _batch_wise_mean(field, batch, num_segments):
    if field.ndim == 2:
        field = field.mean(axis=1)
    return _segment_mean(field, batch, num_segments)


def setup_inputs(seed: int = 0) -> dict:
    key = jax.random.key(seed)
    ks = jax.random.split(key, 7)
    eps_pred = jax.random.normal(ks[0], (N, 2), dtype=jnp.float32)
    noise_target = jax.random.normal(ks[1], (N, 2), dtype=jnp.float32)
    mean = jax.random.normal(ks[2], (N, 2), dtype=jnp.float32)
    true_mean = jax.random.normal(ks[3], (N, 2), dtype=jnp.float32)
    # variances must be strictly positive for the KL term
    variance = jax.random.uniform(ks[4], (N, 2), dtype=jnp.float32, minval=0.1, maxval=1.0)
    true_variance = jax.random.uniform(ks[5], (N, 2), dtype=jnp.float32, minval=0.1, maxval=1.0)
    batch = jnp.sort(jax.random.randint(ks[6], (N,), 0, B, dtype=jnp.int32))
    return {
        'eps_pred': eps_pred,
        'noise_target': noise_target,
        'mean': mean,
        'true_mean': true_mean,
        'variance': variance,
        'true_variance': true_variance,
        'batch': batch,
    }


def reference(eps_pred, noise_target, mean, true_mean, variance, true_variance, batch):
    # noise-prediction MSE term, averaged per-graph
    se = (eps_pred - noise_target) ** 2
    loss = _batch_wise_mean(se, batch, B)
    # VLB (KL) term, averaged per-graph
    kl_per_node = 0.5 * (
        jnp.log(true_variance / variance)
        + (variance + (mean - true_mean) ** 2) / true_variance
        - 1.0
    )
    kl_batch = _batch_wise_mean(kl_per_node, batch, B)
    loss = loss + VLB_WEIGHT * kl_batch
    return loss

if __name__ == "__main__":
    import jax
    _d = setup_inputs()
    print(jax.jit(kernel)(*tuple(_d.values())))

</pallas_src>

<mosaic_0001>
#map = affine_map<(d0, d1) -> (0)>
#map1 = affine_map<(d0, d1) -> (0, 0, 0)>
module attributes {stable_mosaic.version = 14 : i64} {
  func.func @k(%arg0: i32, %arg1: i32, %arg2: memref<1304576xf32, #tpu.memory_space<hbm>>, %arg3: memref<2x32x1040xf32, #tpu.memory_space<hbm>>, %arg4: memref<40768xf32, #tpu.memory_space<vmem>>, %arg5: memref<1040xf32, #tpu.memory_space<vmem>>, %arg6: memref<1040xf32, #tpu.memory_space<vmem>>) attributes {dimension_semantics = [#tpu.dimension_semantics<core_parallel>, #tpu.dimension_semantics<subcore_parallel>], iteration_bounds = array<i64: 2, 16>, scalar_prefetch = 0 : i64, scratch_operands = 3 : i64, tpu.core_type = #tpu.core_type<sc_vector_subcore>, window_params = [{transform_indices = #map}, {transform_indices = #map1}]} {
    %mul3A = arith.constant 2 : i32
    %mul3A_0 = arith.muli %arg1, %mul3A : i32
    %add3A = arith.addi %mul3A_0, %arg0 : i32
    %mul3A_1 = arith.constant 40768 : i32
    %mul3A_2 = arith.muli %add3A, %mul3A_1 : i32
    "tpu.region"() ({
      %run_scoped3A_16 = tpu.sem_alloc : memref<!tpu.dma_semaphore, #tpu.memory_space<semaphore_mem>>
      %dma_start3A = tpu.memref_slice %arg2[%mul3A_2] : memref<1304576xf32, #tpu.memory_space<hbm>> -> memref<40768xf32, #tpu.memory_space<hbm>>
      %dma_start3A_17 = tpu.memref_slice %arg2[%mul3A_2] : memref<1304576xf32, #tpu.memory_space<hbm>> -> memref<40768xf32, #tpu.memory_space<hbm>>
      tpu.enqueue_dma source(%dma_start3A_17 : memref<40768xf32, #tpu.memory_space<hbm>>) target(%arg4 : memref<40768xf32, #tpu.memory_space<vmem>>) target_semaphore(%run_scoped3A_16 : memref<!tpu.dma_semaphore, #tpu.memory_space<semaphore_mem>>)
      %dma_wait3A = tpu.memref_slice %arg2[%mul3A_2] : memref<1304576xf32, #tpu.memory_space<hbm>> -> memref<40768xf32, #tpu.memory_space<hbm>>
      %dma_wait3A_18 = tpu.memref_slice %arg2[%mul3A_2] : memref<1304576xf32, #tpu.memory_space<hbm>> -> memref<40768xf32, #tpu.memory_space<hbm>>
      tpu.wait_dma2 semaphore(%run_scoped3A_16 : memref<!tpu.dma_semaphore, #tpu.memory_space<semaphore_mem>>) src(%dma_wait3A_18 : memref<40768xf32, #tpu.memory_space<hbm>>) dst(%arg4 : memref<40768xf32, #tpu.memory_space<vmem>>)
      tpu.yield
    }) : () -> ()
    %broadcast_in_dim3A = arith.constant 0.000000e+00 : f32
    %broadcast_in_dim3A_3 = vector.broadcast %broadcast_in_dim3A : f32 to vector<16xf32>
    %scan3A = arith.constant 0 : i32
    %scan3A_4 = arith.constant 0 : i32
    %scan3A_5 = arith.constant 65 : i32
    %scan3A_6 = arith.addi %scan3A_4, %scan3A_5 : i32
    %scan3A_7 = arith.constant 1 : i32
    scf.for %scan3A_16 = %scan3A_4 to %scan3A_6 step %scan3A_7  : i32 {
      %mul3A_17 = arith.constant 16 : i32
      %mul3A_18 = arith.muli %scan3A_16, %mul3A_17 : i32
      %multiple_of3A = tpu.assume_multiple %mul3A_18, 16 : i32
      %swap3A = arith.index_cast %multiple_of3A : i32 to index
      %swap3A_19 = tpu.vector_load %arg5[%swap3A] {strides = array<i32>} : memref<1040xf32, #tpu.memory_space<vmem>>, vector<16xf32>,
      %swap3A_20 = vector.shape_cast %swap3A_19 : vector<16xf32> to vector<16xf32>
      %swap3A_21 = vector.shape_cast %broadcast_in_dim3A_3 : vector<16xf32> to vector<16xf32>
      tpu.vector_store %arg5[%swap3A], %swap3A_21 {strides = array<i32>} : memref<1040xf32, #tpu.memory_space<vmem>>, vector<16xf32>,
      %swap3A_22 = arith.index_cast %multiple_of3A : i32 to index
      %swap3A_23 = tpu.vector_load %arg6[%swap3A_22] {strides = array<i32>} : memref<1040xf32, #tpu.memory_space<vmem>>, vector<16xf32>,
      %swap3A_24 = vector.shape_cast %swap3A_23 : vector<16xf32> to vector<16xf32>
      %swap3A_25 = vector.shape_cast %broadcast_in_dim3A_3 : vector<16xf32> to vector<16xf32>
      tpu.vector_store %arg6[%swap3A_22], %swap3A_25 {strides = array<i32>} : memref<1040xf32, #tpu.memory_space<vmem>>, vector<16xf32>,
    }
    %scan3A_8 = arith.constant 65 : i32
    %scan3A_9 = arith.constant 0 : i32
    %scan3A_10 = arith.constant 0 : i32
    %scan3A_11 = arith.constant 196 : i32
    %scan3A_12 = arith.addi %scan3A_10, %scan3A_11 : i32
    %scan3A_13 = arith.constant 1 : i32
    scf.for %scan3A_16 = %scan3A_10 to %scan3A_12 step %scan3A_13  : i32 {
      %mul3A_17 = arith.constant 16 : i32
      %mul3A_18 = arith.muli %scan3A_16, %mul3A_17 : i32
      %multiple_of3A = tpu.assume_multiple %mul3A_18, 16 : i32
      %add3A_19 = arith.constant 0 : i32
      %add3A_20 = arith.addi %add3A_19, %multiple_of3A : i32
      %get3A = arith.index_cast %add3A_20 : i32 to index
      %get3A_21 = tpu.vector_load %arg4[%get3A] {strides = array<i32>} : memref<40768xf32, #tpu.memory_space<vmem>>, vector<16xf32>,
      %get3A_22 = vector.shape_cast %get3A_21 : vector<16xf32> to vector<16xf32>
      %add3A_23 = arith.constant 6272 : i32
      %add3A_24 = arith.addi %add3A_23, %multiple_of3A : i32
      %get3A_25 = arith.index_cast %add3A_24 : i32 to index
      %get3A_26 = tpu.vector_load %arg4[%get3A_25] {strides = array<i32>} : memref<40768xf32, #tpu.memory_space<vmem>>, vector<16xf32>,
      %get3A_27 = vector.shape_cast %get3A_26 : vector<16xf32> to vector<16xf32>
      %add3A_28 = arith.constant 12544 : i32
      %add3A_29 = arith.addi %add3A_28, %multiple_of3A : i32
      %get3A_30 = arith.index_cast %add3A_29 : i32 to index
      %get3A_31 = tpu.vector_load %arg4[%get3A_30] {strides = array<i32>} : memref<40768xf32, #tpu.memory_space<vmem>>, vector<16xf32>,
      %get3A_32 = vector.shape_cast %get3A_31 : vector<16xf32> to vector<16xf32>
      %add3A_33 = arith.constant 18816 : i32
      %add3A_34 = arith.addi %add3A_33, %multiple_of3A : i32
      %get3A_35 = arith.index_cast %add3A_34 : i32 to index
      %get3A_36 = tpu.vector_load %arg4[%get3A_35] {strides = array<i32>} : memref<40768xf32, #tpu.memory_space<vmem>>, vector<16xf32>,
      %get3A_37 = vector.shape_cast %get3A_36 : vector<16xf32> to vector<16xf32>
      %add3A_38 = arith.constant 25088 : i32
      %add3A_39 = arith.addi %add3A_38, %multiple_of3A : i32
      %get3A_40 = arith.index_cast %add3A_39 : i32 to index
      %get3A_41 = tpu.vector_load %arg4[%get3A_40] {strides = array<i32>} : memref<40768xf32, #tpu.memory_space<vmem>>, vector<16xf32>,
      %get3A_42 = vector.shape_cast %get3A_41 : vector<16xf32> to vector<16xf32>
      %add3A_43 = arith.constant 31360 : i32
      %add3A_44 = arith.addi %add3A_43, %multiple_of3A : i32
      %get3A_45 = arith.index_cast %add3A_44 : i32 to index
      %get3A_46 = tpu.vector_load %arg4[%get3A_45] {strides = array<i32>} : memref<40768xf32, #tpu.memory_space<vmem>>, vector<16xf32>,
      %get3A_47 = vector.shape_cast %get3A_46 : vector<16xf32> to vector<16xf32>
      %sub3A = arith.subf %get3A_22, %get3A_27 : vector<16xf32>
      %sub3A_48 = arith.subf %get3A_32, %get3A_37 : vector<16xf32>
      %div3A = arith.divf %get3A_47, %get3A_42 : vector<16xf32>
      %bitcast_convert_type3A = tpu.bitcast %div3A : vector<16xf32> -> vector<16xi32>
      %shift_right_logical3A = arith.constant 23 : i32
      %shift_right_logical3A_49 = vector.broadcast %shift_right_logical3A : i32 to vector<16xi32>
      %shift_right_logical3A_50 = arith.shrui %bitcast_convert_type3A, %shift_right_logical3A_49 : vector<16xi32>
      %sub3A_51 = arith.constant 127 : i32
      %sub3A_52 = vector.broadcast %sub3A_51 : i32 to vector<16xi32>
      %sub3A_53 = arith.subi %shift_right_logical3A_50, %sub3A_52 : vector<16xi32>
      %and3A = arith.constant 8388607 : i32
      %and3A_54 = vector.broadcast %and3A : i32 to vector<16xi32>
      %and3A_55 = arith.andi %bitcast_convert_type3A, %and3A_54 : vector<16xi32>
      %or3A = arith.constant 1065353216 : i32
      %or3A_56 = vector.broadcast %or3A : i32 to vector<16xi32>
      %or3A_57 = arith.ori %and3A_55, %or3A_56 : vector<16xi32>
      %bitcast_convert_type3A_58 = tpu.bitcast %or3A_57 : vector<16xi32> -> vector<16xf32>
      %gt3A = arith.constant 1.41421354 : f32
      %gt3A_59 = vector.broadcast %gt3A : f32 to vector<16xf32>
      %gt3A_60 = arith.cmpf ogt, %bitcast_convert_type3A_58, %gt3A_59 : vector<16xf32>
      %mul3A_61 = arith.constant 5.000000e-01 : f32
      %mul3A_62 = vector.broadcast %mul3A_61 : f32 to vector<16xf32>
      %mul3A_63 = arith.mulf %bitcast_convert_type3A_58, %mul3A_62 : vector<16xf32>
      %select_n3A = arith.select %gt3A_60, %mul3A_63, %bitcast_convert_type3A_58 : vector<16xi1>, vector<16xf32>
      %convert_element_type3A = arith.sitofp %sub3A_53 : vector<16xi32> to vector<16xf32>
      %jit3A = arith.constant 1.000000e+00 : f32
      %jit3A_64 = arith.constant 0.000000e+00 : f32
      %broadcast_in_dim3A_65 = vector.broadcast %jit3A : f32 to vector<16xf32>
      %broadcast_in_dim3A_66 = vector.broadcast %jit3A_64 : f32 to vector<16xf32>
      %select_n3A_67 = arith.select %gt3A_60, %broadcast_in_dim3A_65, %broadcast_in_dim3A_66 : vector<16xi1>, vector<16xf32>
      %add3A_68 = arith.addf %convert_element_type3A, %select_n3A_67 : vector<16xf32>
      %sub3A_69 = arith.constant 1.000000e+00 : f32
      %sub3A_70 = vector.broadcast %sub3A_69 : f32 to vector<16xf32>
      %sub3A_71 = arith.subf %select_n3A, %sub3A_70 : vector<16xf32>
      %add3A_72 = arith.constant 1.000000e+00 : f32
      %add3A_73 = vector.broadcast %add3A_72 : f32 to vector<16xf32>
      %add3A_74 = arith.addf %select_n3A, %add3A_73 : vector<16xf32>
      %div3A_75 = arith.divf %sub3A_71, %add3A_74 : vector<16xf32>
      %mul3A_76 = arith.mulf %div3A_75, %div3A_75 : vector<16xf32>
      %mul3A_77 = arith.constant 2.000000e+00 : f32
      %mul3A_78 = vector.broadcast %mul3A_77 : f32 to vector<16xf32>
      %mul3A_79 = arith.mulf %mul3A_78, %div3A_75 : vector<16xf32>
      %mul3A_80 = arith.constant 0.142857149 : f32
      %mul3A_81 = vector.broadcast %mul3A_80 : f32 to vector<16xf32>
      %mul3A_82 = arith.mulf %mul3A_76, %mul3A_81 : vector<16xf32>
      %add3A_83 = arith.constant 2.000000e-01 : f32
      %add3A_84 = vector.broadcast %add3A_83 : f32 to vector<16xf32>
      %add3A_85 = arith.addf %add3A_84, %mul3A_82 : vector<16xf32>
      %mul3A_86 = arith.mulf %mul3A_76, %add3A_85 : vector<16xf32>
      %add3A_87 = arith.constant 0.333333343 : f32
      %add3A_88 = vector.broadcast %add3A_87 : f32 to vector<16xf32>
      %add3A_89 = arith.addf %add3A_88, %mul3A_86 : vector<16xf32>
      %mul3A_90 = arith.mulf %mul3A_76, %add3A_89 : vector<16xf32>
      %add3A_91 = arith.constant 1.000000e+00 : f32
      %add3A_92 = vector.broadcast %add3A_91 : f32 to vector<16xf32>
      %add3A_93 = arith.addf %add3A_92, %mul3A_90 : vector<16xf32>
      %mul3A_94 = arith.mulf %mul3A_79, %add3A_93 : vector<16xf32>
      %mul3A_95 = arith.constant 0.693147182 : f32
      %mul3A_96 = vector.broadcast %mul3A_95 : f32 to vector<16xf32>
      %mul3A_97 = arith.mulf %add3A_68, %mul3A_96 : vector<16xf32>
      %add3A_98 = arith.addf %mul3A_97, %mul3A_94 : vector<16xf32>
      %mul3A_99 = arith.mulf %sub3A_48, %sub3A_48 : vector<16xf32>
      %add3A_100 = arith.addf %get3A_42, %mul3A_99 : vector<16xf32>
      %div3A_101 = arith.divf %add3A_100, %get3A_47 : vector<16xf32>
      %add3A_102 = arith.addf %add3A_98, %div3A_101 : vector<16xf32>
      %sub3A_103 = arith.constant 1.000000e+00 : f32
      %sub3A_104 = vector.broadcast %sub3A_103 : f32 to vector<16xf32>
      %sub3A_105 = arith.subf %add3A_102, %sub3A_104 : vector<16xf32>
      %mul3A_106 = arith.mulf %sub3A, %sub3A : vector<16xf32>
      %mul3A_107 = arith.constant 5.000000e-01 : f32
      %mul3A_108 = vector.broadcast %mul3A_107 : f32 to vector<16xf32>
      %mul3A_109 = arith.mulf %mul3A_108, %mul3A_106 : vector<16xf32>
      %mul3A_110 = arith.constant 2.500000e-04 : f32
      %mul3A_111 = vector.broadcast %mul3A_110 : f32 to vector<16xf32>
      %mul3A_112 = arith.mulf %mul3A_111, %sub3A_105 : vector<16xf32>
      %add3A_113 = arith.addf %mul3A_109, %mul3A_112 : vector<16xf32>
      %add3A_114 = arith.constant 3136 : i32
      %add3A_115 = arith.addi %add3A_114, %multiple_of3A : i32
      %get3A_116 = arith.index_cast %add3A_115 : i32 to index
      %get3A_117 = tpu.vector_load %arg4[%get3A_116] {strides = array<i32>} : memref<40768xf32, #tpu.memory_space<vmem>>, vector<16xf32>,
      %get3A_118 = vector.shape_cast %get3A_117 : vector<16xf32> to vector<16xf32>
      %add3A_119 = arith.constant 9408 : i32
      %add3A_120 = arith.addi %add3A_119, %multiple_of3A : i32
      %get3A_121 = arith.index_cast %add3A_120 : i32 to index
      %get3A_122 = tpu.vector_load %arg4[%get3A_121] {strides = array<i32>} : memref<40768xf32, #tpu.memory_space<vmem>>, vector<16xf32>,
      %get3A_123 = vector.shape_cast %get3A_122 : vector<16xf32> to vector<16xf32>
      %add3A_124 = arith.constant 15680 : i32
      %add3A_125 = arith.addi %add3A_124, %multiple_of3A : i32
      %get3A_126 = arith.index_cast %add3A_125 : i32 to index
      %get3A_127 = tpu.vector_load %arg4[%get3A_126] {strides = array<i32>} : memref<40768xf32, #tpu.memory_space<vmem>>, vector<16xf32>,
      %get3A_128 = vector.shape_cast %get3A_127 : vector<16xf32> to vector<16xf32>
      %add3A_129 = arith.constant 21952 : i32
      %add3A_130 = arith.addi %add3A_129, %multiple_of3A : i32
      %get3A_131 = arith.index_cast %add3A_130 : i32 to index
      %get3A_132 = tpu.vector_load %arg4[%get3A_131] {strides = array<i32>} : memref<40768xf32, #tpu.memory_space<vmem>>, vector<16xf32>,
      %get3A_133 = vector.shape_cast %get3A_132 : vector<16xf32> to vector<16xf32>
      %add3A_134 = arith.constant 28224 : i32
      %add3A_135 = arith.addi %add3A_134, %multiple_of3A : i32
      %get3A_136 = arith.index_cast %add3A_135 : i32 to index
      %get3A_137 = tpu.vector_load %arg4[%get3A_136] {strides = array<i32>} : memref<40768xf32, #tpu.memory_space<vmem>>, vector<16xf32>,
      %get3A_138 = vector.shape_cast %get3A_137 : vector<16xf32> to vector<16xf32>
      %add3A_139 = arith.constant 34496 : i32
      %add3A_140 = arith.addi %add3A_139, %multiple_of3A : i32
      %get3A_141 = arith.index_cast %add3A_140 : i32 to index
      %get3A_142 = tpu.vector_load %arg4[%get3A_141] {strides = array<i32>} : memref<40768xf32, #tpu.memory_space<vmem>>, vector<16xf32>,
      %get3A_143 = vector.shape_cast %get3A_142 : vector<16xf32> to vector<16xf32>
      %sub3A_144 = arith.subf %get3A_118, %get3A_123 : vector<16xf32>
      %sub3A_145 = arith.subf %get3A_128, %get3A_133 : vector<16xf32>
      %div3A_146 = arith.divf %get3A_143, %get3A_138 : vector<16xf32>
      %bitcast_convert_type3A_147 = tpu.bitcast %div3A_146 : vector<16xf32> -> vector<16xi32>
      %shift_right_logical3A_148 = arith.constant 23 : i32
      %shift_right_logical3A_149 = vector.broadcast %shift_right_logical3A_148 : i32 to vector<16xi32>
      %shift_right_logical3A_150 = arith.shrui %bitcast_convert_type3A_147, %shift_right_logical3A_149 : vector<16xi32>
      %sub3A_151 = arith.constant 127 : i32
      %sub3A_152 = vector.broadcast %sub3A_151 : i32 to vector<16xi32>
      %sub3A_153 = arith.subi %shift_right_logical3A_150, %sub3A_152 : vector<16xi32>
      %and3A_154 = arith.constant 8388607 : i32
      %and3A_155 = vector.broadcast %and3A_154 : i32 to vector<16xi32>
      %and3A_156 = arith.andi %bitcast_convert_type3A_147, %and3A_155 : vector<16xi32>
      %or3A_157 = arith.constant 1065353216 : i32
      %or3A_158 = vector.broadcast %or3A_157 : i32 to vector<16xi32>
      %or3A_159 = arith.ori %and3A_156, %or3A_158 : vector<16xi32>
      %bitcast_convert_type3A_160 = tpu.bitcast %or3A_159 : vector<16xi32> -> vector<16xf32>
      %gt3A_161 = arith.constant 1.41421354 : f32
      %gt3A_162 = vector.broadcast %gt3A_161 : f32 to vector<16xf32>
      %gt3A_163 = arith.cmpf ogt, %bitcast_convert_type3A_160, %gt3A_162 : vector<16xf32>
      %mul3A_164 = arith.constant 5.000000e-01 : f32
      %mul3A_165 = vector.broadcast %mul3A_164 : f32 to vector<16xf32>
      %mul3A_166 = arith.mulf %bitcast_convert_type3A_160, %mul3A_165 : vector<16xf32>
      %select_n3A_167 = arith.select %gt3A_163, %mul3A_166, %bitcast_convert_type3A_160 : vector<16xi1>, vector<16xf32>
      %convert_element_type3A_168 = arith.sitofp %sub3A_153 : vector<16xi32> to vector<16xf32>
      %jit3A_169 = arith.constant 1.000000e+00 : f32
      %jit3A_170 = arith.constant 0.000000e+00 : f32
      %broadcast_in_dim3A_171 = vector.broadcast %jit3A_169 : f32 to vector<16xf32>
      %broadcast_in_dim3A_172 = vector.broadcast %jit3A_170 : f32 to vector<16xf32>
      %select_n3A_173 = arith.select %gt3A_163, %broadcast_in_dim3A_171, %broadcast_in_dim3A_172 : vector<16xi1>, vector<16xf32>
      %add3A_174 = arith.addf %convert_element_type3A_168, %select_n3A_173 : vector<16xf32>
      %sub3A_175 = arith.constant 1.000000e+00 : f32
      %sub3A_176 = vector.broadcast %sub3A_175 : f32 to vector<16xf32>
      %sub3A_177 = arith.subf %select_n3A_167, %sub3A_176 : vector<16xf32>
      %add3A_178 = arith.constant 1.000000e+00 : f32
      %add3A_179 = vector.broadcast %add3A_178 : f32 to vector<16xf32>
      %add3A_180 = arith.addf %select_n3A_167, %add3A_179 : vector<16xf32>
      %div3A_181 = arith.divf %sub3A_177, %add3A_180 : vector<16xf32>
      %mul3A_182 = arith.mulf %div3A_181, %div3A_181 : vector<16xf32>
      %mul3A_183 = arith.constant 2.000000e+00 : f32
      %mul3A_184 = vector.broadcast %mul3A_183 : f32 to vector<16xf32>
      %mul3A_185 = arith.mulf %mul3A_184, %div3A_181 : vector<16xf32>
      %mul3A_186 = arith.constant 0.142857149 : f32
      %mul3A_187 = vector.broadcast %mul3A_186 : f32 to vector<16xf32>
      %mul3A_188 = arith.mulf %mul3A_182, %mul3A_187 : vector<16xf32>
      %add3A_189 = arith.constant 2.000000e-01 : f32
      %add3A_190 = vector.broadcast %add3A_189 : f32 to vector<16xf32>
      %add3A_191 = arith.addf %add3A_190, %mul3A_188 : vector<16xf32>
      %mul3A_192 = arith.mulf %mul3A_182, %add3A_191 : vector<16xf32>
      %add3A_193 = arith.constant 0.333333343 : f32
      %add3A_194 = vector.broadcast %add3A_193 : f32 to vector<16xf32>
      %add3A_195 = arith.addf %add3A_194, %mul3A_192 : vector<16xf32>
      %mul3A_196 = arith.mulf %mul3A_182, %add3A_195 : vector<16xf32>
      %add3A_197 = arith.constant 1.000000e+00 : f32
      %add3A_198 = vector.broadcast %add3A_197 : f32 to vector<16xf32>
      %add3A_199 = arith.addf %add3A_198, %mul3A_196 : vector<16xf32>
      %mul3A_200 = arith.mulf %mul3A_185, %add3A_199 : vector<16xf32>
      %mul3A_201 = arith.constant 0.693147182 : f32
      %mul3A_202 = vector.broadcast %mul3A_201 : f32 to vector<16xf32>
      %mul3A_203 = arith.mulf %add3A_174, %mul3A_202 : vector<16xf32>
      %add3A_204 = arith.addf %mul3A_203, %mul3A_200 : vector<16xf32>
      %mul3A_205 = arith.mulf %sub3A_145, %sub3A_145 : vector<16xf32>
      %add3A_206 = arith.addf %get3A_138, %mul3A_205 : vector<16xf32>
      %div3A_207 = arith.divf %add3A_206, %get3A_143 : vector<16xf32>
      %add3A_208 = arith.addf %add3A_204, %div3A_207 : vector<16xf32>
      %sub3A_209 = arith.constant 1.000000e+00 : f32
      %sub3A_210 = vector.broadcast %sub3A_209 : f32 to vector<16xf32>
      %sub3A_211 = arith.subf %add3A_208, %sub3A_210 : vector<16xf32>
      %mul3A_212 = arith.mulf %sub3A_144, %sub3A_144 : vector<16xf32>
      %mul3A_213 = arith.constant 5.000000e-01 : f32
      %mul3A_214 = vector.broadcast %mul3A_213 : f32 to vector<16xf32>
      %mul3A_215 = arith.mulf %mul3A_214, %mul3A_212 : vector<16xf32>
      %mul3A_216 = arith.constant 2.500000e-04 : f32
      %mul3A_217 = vector.broadcast %mul3A_216 : f32 to vector<16xf32>
      %mul3A_218 = arith.mulf %mul3A_217, %sub3A_211 : vector<16xf32>
      %add3A_219 = arith.addf %mul3A_215, %mul3A_218 : vector<16xf32>
      %add3A_220 = arith.constant 37632 : i32
      %add3A_221 = arith.addi %add3A_220, %multiple_of3A : i32
      %get3A_222 = arith.index_cast %add3A_221 : i32 to index
      %get3A_223 = tpu.vector_load %arg4[%get3A_222] {strides = array<i32>} : memref<40768xf32, #tpu.memory_space<vmem>>, vector<16xf32>,
      %get3A_224 = vector.shape_cast %get3A_223 : vector<16xf32> to vector<16xf32>
      %bitcast_convert_type3A_225 = tpu.bitcast %get3A_224 : vector<16xf32> -> vector<16xi32>
      %add3A_226 = arith.addf %add3A_113, %add3A_219 : vector<16xf32>
      %slice3A = vector.extract_strided_slice %bitcast_convert_type3A_225 {offsets = [0], sizes = [1], strides = [1]} : vector<16xi32> to vector<1xi32>
      %squeeze3A = vector.extract %slice3A[0] : i32 from vector<1xi32>
      %eq3A = vector.broadcast %squeeze3A : i32 to vector<16xi32>
      %eq3A_227 = arith.cmpi eq, %bitcast_convert_type3A_225, %eq3A : vector<16xi32>
      %jit3A_228 = arith.constant 1.000000e+00 : f32
      %jit3A_229 = arith.constant 0.000000e+00 : f32
      %broadcast_in_dim3A_230 = vector.broadcast %jit3A_228 : f32 to vector<16xf32>
      %broadcast_in_dim3A_231 = vector.broadcast %jit3A_229 : f32 to vector<16xf32>
      %select_n3A_232 = arith.select %eq3A_227, %broadcast_in_dim3A_230, %broadcast_in_dim3A_231 : vector<16xi1>, vector<16xf32>
      %mul3A_233 = arith.constant 16 : i32
      %mul3A_234 = arith.muli %squeeze3A, %mul3A_233 : i32
      %multiple_of3A_235 = tpu.assume_multiple %mul3A_234, 16 : i32
      %get3A_236 = arith.index_cast %multiple_of3A_235 : i32 to index
      %get3A_237 = tpu.vector_load %arg5[%get3A_236] {strides = array<i32>} : memref<1040xf32, #tpu.memory_space<vmem>>, vector<16xf32>,
      %get3A_238 = vector.shape_cast %get3A_237 : vector<16xf32> to vector<16xf32>
      %mul3A_239 = arith.mulf %add3A_226, %select_n3A_232 : vector<16xf32>
      %add3A_240 = arith.addf %get3A_238, %mul3A_239 : vector<16xf32>
      %swap3A = arith.index_cast %multiple_of3A_235 : i32 to index
      %swap3A_241 = tpu.vector_load %arg5[%swap3A] {strides = array<i32>} : memref<1040xf32, #tpu.memory_space<vmem>>, vector<16xf32>,
      %swap3A_242 = vector.shape_cast %swap3A_241 : vector<16xf32> to vector<16xf32>
      %swap3A_243 = vector.shape_cast %add3A_240 : vector<16xf32> to vector<16xf32>
      tpu.vector_store %arg5[%swap3A], %swap3A_243 {strides = array<i32>} : memref<1040xf32, #tpu.memory_space<vmem>>, vector<16xf32>,
      %get3A_244 = arith.index_cast %multiple_of3A_235 : i32 to index
      %get3A_245 = tpu.vector_load %arg6[%get3A_244] {strides = array<i32>} : memref<1040xf32, #tpu.memory_space<vmem>>, vector<16xf32>,
      %get3A_246 = vector.shape_cast %get3A_245 : vector<16xf32> to vector<16xf32>
      %add3A_247 = arith.addf %get3A_246, %select_n3A_232 : vector<16xf32>
      %swap3A_248 = arith.index_cast %multiple_of3A_235 : i32 to index
      %swap3A_249 = tpu.vector_load %arg6[%swap3A_248] {strides = array<i32>} : memref<1040xf32, #tpu.memory_space<vmem>>, vector<16xf32>,
      %swap3A_250 = vector.shape_cast %swap3A_249 : vector<16xf32> to vector<16xf32>
      %swap3A_251 = vector.shape_cast %add3A_247 : vector<16xf32> to vector<16xf32>
      tpu.vector_store %arg6[%swap3A_248], %swap3A_251 {strides = array<i32>} : memref<1040xf32, #tpu.memory_space<vmem>>, vector<16xf32>,
      %slice3A_252 = vector.extract_strided_slice %bitcast_convert_type3A_225 {offsets = [15], sizes = [1], strides = [1]} : vector<16xi32> to vector<1xi32>
      %squeeze3A_253 = vector.extract %slice3A_252[0] : i32 from vector<1xi32>
      %ne3A = arith.cmpi ne, %squeeze3A_253, %squeeze3A : i32
      %convert_element_type3A_254 = arith.extui %ne3A : i1 to i32
      %cond3A = arith.constant 0 : i32
      %cond3A_255 = arith.cmpi ne, %convert_element_type3A_254, %cond3A : i32
      scf.if %cond3A_255 {
        %slice3A_256 = vector.extract_strided_slice %bitcast_convert_type3A_225 {offsets = [1], sizes = [1], strides = [1]} : vector<16xi32> to vector<1xi32>
        %squeeze3A_257 = vector.extract %slice3A_256[0] : i32 from vector<1xi32>
        %slice3A_258 = vector.extract_strided_slice %bitcast_convert_type3A_225 {offsets = [0], sizes = [1], strides = [1]} : vector<16xi32> to vector<1xi32>
        %squeeze3A_259 = vector.extract %slice3A_258[0] : i32 from vector<1xi32>
        %ne3A_260 = arith.cmpi ne, %squeeze3A_257, %squeeze3A_259 : i32
        %jit3A_261 = arith.constant 1.000000e+00 : f32
        %jit3A_262 = arith.constant 0.000000e+00 : f32
        %select_n3A_263 = arith.select %ne3A_260, %jit3A_261, %jit3A_262 : f32
        %eq3A_264 = vector.broadcast %squeeze3A_257 : i32 to vector<16xi32>
        %eq3A_265 = arith.cmpi eq, %bitcast_convert_type3A_225, %eq3A_264 : vector<16xi32>
        %jit3A_266 = arith.constant 0.000000e+00 : f32
        %broadcast_in_dim3A_267 = vector.broadcast %select_n3A_263 : f32 to vector<16xf32>
        %broadcast_in_dim3A_268 = vector.broadcast %jit3A_266 : f32 to vector<16xf32>
        %select_n3A_269 = arith.select %eq3A_265, %broadcast_in_dim3A_267, %broadcast_in_dim3A_268 : vector<16xi1>, vector<16xf32>
        %mul3A_270 = arith.constant 16 : i32
        %mul3A_271 = arith.muli %squeeze3A_257, %mul3A_270 : i32
        %multiple_of3A_272 = tpu.assume_multiple %mul3A_271, 16 : i32
        %get3A_273 = arith.index_cast %multiple_of3A_272 : i32 to index
        %get3A_274 = tpu.vector_load %arg5[%get3A_273] {strides = array<i32>} : memref<1040xf32, #tpu.memory_space<vmem>>, vector<16xf32>,
        %get3A_275 = vector.shape_cast %get3A_274 : vector<16xf32> to vector<16xf32>
        %mul3A_276 = arith.mulf %add3A_226, %select_n3A_269 : vector<16xf32>
        %add3A_277 = arith.addf %get3A_275, %mul3A_276 : vector<16xf32>
        %swap3A_278 = arith.index_cast %multiple_of3A_272 : i32 to index
        %swap3A_279 = tpu.vector_load %arg5[%swap3A_278] {strides = array<i32>} : memref<1040xf32, #tpu.memory_space<vmem>>, vector<16xf32>,
        %swap3A_280 = vector.shape_cast %swap3A_279 : vector<16xf32> to vector<16xf32>
        %swap3A_281 = vector.shape_cast %add3A_277 : vector<16xf32> to vector<16xf32>
        tpu.vector_store %arg5[%swap3A_278], %swap3A_281 {strides = array<i32>} : memref<1040xf32, #tpu.memory_space<vmem>>, vector<16xf32>,
        %get3A_282 = arith.index_cast %multiple_of3A_272 : i32 to index
        %get3A_283 = tpu.vector_load %arg6[%get3A_282] {strides = array<i32>} : memref<1040xf32, #tpu.memory_space<vmem>>, vector<16xf32>,
        %get3A_284 = vector.shape_cast %get3A_283 : vector<16xf32> to vector<16xf32>
        %add3A_285 = arith.addf %get3A_284, %select_n3A_269 : vector<16xf32>
        %swap3A_286 = arith.index_cast %multiple_of3A_272 : i32 to index
        %swap3A_287 = tpu.vector_load %arg6[%swap3A_286] {strides = array<i32>} : memref<1040xf32, #tpu.memory_space<vmem>>, vector<16xf32>,
        %swap3A_288 = vector.shape_cast %swap3A_287 : vector<16xf32> to vector<16xf32>
        %swap3A_289 = vector.shape_cast %add3A_285 : vector<16xf32> to vector<16xf32>
        tpu.vector_store %arg6[%swap3A_286], %swap3A_289 {strides = array<i32>} : memref<1040xf32, #tpu.memory_space<vmem>>, vector<16xf32>,
        %slice3A_290 = vector.extract_strided_slice %bitcast_convert_type3A_225 {offsets = [2], sizes = [1], strides = [1]} : vector<16xi32> to vector<1xi32>
        %squeeze3A_291 = vector.extract %slice3A_290[0] : i32 from vector<1xi32>
        %slice3A_292 = vector.extract_strided_slice %bitcast_convert_type3A_225 {offsets = [1], sizes = [1], strides = [1]} : vector<16xi32> to vector<1xi32>
        %squeeze3A_293 = vector.extract %slice3A_292[0] : i32 from vector<1xi32>
        %ne3A_294 = arith.cmpi ne, %squeeze3A_291, %squeeze3A_293 : i32
        %jit3A_295 = arith.constant 1.000000e+00 : f32
        %jit3A_296 = arith.constant 0.000000e+00 : f32
        %select_n3A_297 = arith.select %ne3A_294, %jit3A_295, %jit3A_296 : f32
        %eq3A_298 = vector.broadcast %squeeze3A_291 : i32 to vector<16xi32>
        %eq3A_299 = arith.cmpi eq, %bitcast_convert_type3A_225, %eq3A_298 : vector<16xi32>
        %jit3A_300 = arith.constant 0.000000e+00 : f32
        %broadcast_in_dim3A_301 = vector.broadcast %select_n3A_297 : f32 to vector<16xf32>
        %broadcast_in_dim3A_302 = vector.broadcast %jit3A_300 : f32 to vector<16xf32>
        %select_n3A_303 = arith.select %eq3A_299, %broadcast_in_dim3A_301, %broadcast_in_dim3A_302 : vector<16xi1>, vector<16xf32>
        %mul3A_304 = arith.constant 16 : i32
        %mul3A_305 = arith.muli %squeeze3A_291, %mul3A_304 : i32
        %multiple_of3A_306 = tpu.assume_multiple %mul3A_305, 16 : i32
        %get3A_307 = arith.index_cast %multiple_of3A_306 : i32 to index
        %get3A_308 = tpu.vector_load %arg5[%get3A_307] {strides = array<i32>} : memref<1040xf32, #tpu.memory_space<vmem>>, vector<16xf32>,
        %get3A_309 = vector.shape_cast %get3A_308 : vector<16xf32> to vector<16xf32>
        %mul3A_310 = arith.mulf %add3A_226, %select_n3A_303 : vector<16xf32>
        %add3A_311 = arith.addf %get3A_309, %mul3A_310 : vector<16xf32>
        %swap3A_312 = arith.index_cast %multiple_of3A_306 : i32 to index
        %swap3A_313 = tpu.vector_load %arg5[%swap3A_312] {strides = array<i32>} : memref<1040xf32, #tpu.memory_space<vmem>>, vector<16xf32>,
        %swap3A_314 = vector.shape_cast %swap3A_313 : vector<16xf32> to vector<16xf32>
        %swap3A_315 = vector.shape_cast %add3A_311 : vector<16xf32> to vector<16xf32>
        tpu.vector_store %arg5[%swap3A_312], %swap3A_315 {strides = array<i32>} : memref<1040xf32, #tpu.memory_space<vmem>>, vector<16xf32>,
        %get3A_316 = arith.index_cast %multiple_of3A_306 : i32 to index
        %get3A_317 = tpu.vector_load %arg6[%get3A_316] {strides = array<i32>} : memref<1040xf32, #tpu.memory_space<vmem>>, vector<16xf32>,
        %get3A_318 = vector.shape_cast %get3A_317 : vector<16xf32> to vector<16xf32>
        %add3A_319 = arith.addf %get3A_318, %select_n3A_303 : vector<16xf32>
        %swap3A_320 = arith.index_cast %multiple_of3A_306 : i32 to index
        %swap3A_321 = tpu.vector_load %arg6[%swap3A_320] {strides = array<i32>} : memref<1040xf32, #tpu.memory_space<vmem>>, vector<16xf32>,
        %swap3A_322 = vector.shape_cast %swap3A_321 : vector<16xf32> to vector<16xf32>
        %swap3A_323 = vector.shape_cast %add3A_319 : vector<16xf32> to vector<16xf32>
        tpu.vector_store %arg6[%swap3A_320], %swap3A_323 {strides = array<i32>} : memref<1040xf32, #tpu.memory_space<vmem>>, vector<16xf32>,
        %slice3A_324 = vector.extract_strided_slice %bitcast_convert_type3A_225 {offsets = [3], sizes = [1], strides = [1]} : vector<16xi32> to vector<1xi32>
        %squeeze3A_325 = vector.extract %slice3A_324[0] : i32 from vector<1xi32>
        %slice3A_326 = vector.extract_strided_slice %bitcast_convert_type3A_225 {offsets = [2], sizes = [1], strides = [1]} : vector<16xi32> to vector<1xi32>
        %squeeze3A_327 = vector.extract %slice3A_326[0] : i32 from vector<1xi32>
        %ne3A_328 = arith.cmpi ne, %squeeze3A_325, %squeeze3A_327 : i32
        %jit3A_329 = arith.constant 1.000000e+00 : f32
        %jit3A_330 = arith.constant 0.000000e+00 : f32
        %select_n3A_331 = arith.select %ne3A_328, %jit3A_329, %jit3A_330 : f32
        %eq3A_332 = vector.broadcast %squeeze3A_325 : i32 to vector<16xi32>
        %eq3A_333 = arith.cmpi eq, %bitcast_convert_type3A_225, %eq3A_332 : vector<16xi32>
        %jit3A_334 = arith.constant 0.000000e+00 : f32
        %broadcast_in_dim3A_335 = vector.broadcast %select_n3A_331 : f32 to vector<16xf32>
        %broadcast_in_dim3A_336 = vector.broadcast %jit3A_334 : f32 to vector<16xf32>
        %select_n3A_337 = arith.select %eq3A_333, %broadcast_in_dim3A_335, %broadcast_in_dim3A_336 : vector<16xi1>, vector<16xf32>
        %mul3A_338 = arith.constant 16 : i32
        %mul3A_339 = arith.muli %squeeze3A_325, %mul3A_338 : i32
        %multiple_of3A_340 = tpu.assume_multiple %mul3A_339, 16 : i32
        %get3A_341 = arith.index_cast %multiple_of3A_340 : i32 to index
        %get3A_342 = tpu.vector_load %arg5[%get3A_341] {strides = array<i32>} : memref<1040xf32, #tpu.memory_space<vmem>>, vector<16xf32>,
        %get3A_343 = vector.shape_cast %get3A_342 : vector<16xf32> to vector<16xf32>
        %mul3A_344 = arith.mulf %add3A_226, %select_n3A_337 : vector<16xf32>
        %add3A_345 = arith.addf %get3A_343, %mul3A_344 : vector<16xf32>
        %swap3A_346 = arith.index_cast %multiple_of3A_340 : i32 to index
        %swap3A_347 = tpu.vector_load %arg5[%swap3A_346] {strides = array<i32>} : memref<1040xf32, #tpu.memory_space<vmem>>, vector<16xf32>,
        %swap3A_348 = vector.shape_cast %swap3A_347 : vector<16xf32> to vector<16xf32>
        %swap3A_349 = vector.shape_cast %add3A_345 : vector<16xf32> to vector<16xf32>
        tpu.vector_store %arg5[%swap3A_346], %swap3A_349 {strides = array<i32>} : memref<1040xf32, #tpu.memory_space<vmem>>, vector<16xf32>,
        %get3A_350 = arith.index_cast %multiple_of3A_340 : i32 to index
        %get3A_351 = tpu.vector_load %arg6[%get3A_350] {strides = array<i32>} : memref<1040xf32, #tpu.memory_space<vmem>>, vector<16xf32>,
        %get3A_352 = vector.shape_cast %get3A_351 : vector<16xf32> to vector<16xf32>
        %add3A_353 = arith.addf %get3A_352, %select_n3A_337 : vector<16xf32>
        %swap3A_354 = arith.index_cast %multiple_of3A_340 : i32 to index
        %swap3A_355 = tpu.vector_load %arg6[%swap3A_354] {strides = array<i32>} : memref<1040xf32, #tpu.memory_space<vmem>>, vector<16xf32>,
        %swap3A_356 = vector.shape_cast %swap3A_355 : vector<16xf32> to vector<16xf32>
        %swap3A_357 = vector.shape_cast %add3A_353 : vector<16xf32> to vector<16xf32>
        tpu.vector_store %arg6[%swap3A_354], %swap3A_357 {strides = array<i32>} : memref<1040xf32, #tpu.memory_space<vmem>>, vector<16xf32>,
        %slice3A_358 = vector.extract_strided_slice %bitcast_convert_type3A_225 {offsets = [4], sizes = [1], strides = [1]} : vector<16xi32> to vector<1xi32>
        %squeeze3A_359 = vector.extract %slice3A_358[0] : i32 from vector<1xi32>
        %slice3A_360 = vector.extract_strided_slice %bitcast_convert_type3A_225 {offsets = [3], sizes = [1], strides = [1]} : vector<16xi32> to vector<1xi32>
        %squeeze3A_361 = vector.extract %slice3A_360[0] : i32 from vector<1xi32>
        %ne3A_362 = arith.cmpi ne, %squeeze3A_359, %squeeze3A_361 : i32
        %jit3A_363 = arith.constant 1.000000e+00 : f32
        %jit3A_364 = arith.constant 0.000000e+00 : f32
        %select_n3A_365 = arith.select %ne3A_362, %jit3A_363, %jit3A_364 : f32
        %eq3A_366 = vector.broadcast %squeeze3A_359 : i32 to vector<16xi32>
        %eq3A_367 = arith.cmpi eq, %bitcast_convert_type3A_225, %eq3A_366 : vector<16xi32>
        %jit3A_368 = arith.constant 0.000000e+00 : f32
        %broadcast_in_dim3A_369 = vector.broadcast %select_n3A_365 : f32 to vector<16xf32>
        %broadcast_in_dim3A_370 = vector.broadcast %jit3A_368 : f32 to vector<16xf32>
        %select_n3A_371 = arith.select %eq3A_367, %broadcast_in_dim3A_369, %broadcast_in_dim3A_370 : vector<16xi1>, vector<16xf32>
        %mul3A_372 = arith.constant 16 : i32
        %mul3A_373 = arith.muli %squeeze3A_359, %mul3A_372 : i32
        %multiple_of3A_374 = tpu.assume_multiple %mul3A_373, 16 : i32
        %get3A_375 = arith.index_cast %multiple_of3A_374 : i32 to index
        %get3A_376 = tpu.vector_load %arg5[%get3A_375] {strides = array<i32>} : memref<1040xf32, #tpu.memory_space<vmem>>, vector<16xf32>,
        %get3A_377 = vector.shape_cast %get3A_376 : vector<16xf32> to vector<16xf32>
        %mul3A_378 = arith.mulf %add3A_226, %select_n3A_371 : vector<16xf32>
        %add3A_379 = arith.addf %get3A_377, %mul3A_378 : vector<16xf32>
        %swap3A_380 = arith.index_cast %multiple_of3A_374 : i32 to index
        %swap3A_381 = tpu.vector_load %arg5[%swap3A_380] {strides = array<i32>} : memref<1040xf32, #tpu.memory_space<vmem>>, vector<16xf32>,
        %swap3A_382 = vector.shape_cast %swap3A_381 : vector<16xf32> to vector<16xf32>
        %swap3A_383 = vector.shape_cast %add3A_379 : vector<16xf32> to vector<16xf32>
        tpu.vector_store %arg5[%swap3A_380], %swap3A_383 {strides = array<i32>} : memref<1040xf32, #tpu.memory_space<vmem>>, vector<16xf32>,
        %get3A_384 = arith.index_cast %multiple_of3A_374 : i32 to index
        %get3A_385 = tpu.vector_load %arg6[%get3A_384] {strides = array<i32>} : memref<1040xf32, #tpu.memory_space<vmem>>, vector<16xf32>,
        %get3A_386 = vector.shape_cast %get3A_385 : vector<16xf32> to vector<16xf32>
        %add3A_387 = arith.addf %get3A_386, %select_n3A_371 : vector<16xf32>
        %swap3A_388 = arith.index_cast %multiple_of3A_374 : i32 to index
        %swap3A_389 = tpu.vector_load %arg6[%swap3A_388] {strides = array<i32>} : memref<1040xf32, #tpu.memory_space<vmem>>, vector<16xf32>,
        %swap3A_390 = vector.shape_cast %swap3A_389 : vector<16xf32> to vector<16xf32>
        %swap3A_391 = vector.shape_cast %add3A_387 : vector<16xf32> to vector<16xf32>
        tpu.vector_store %arg6[%swap3A_388], %swap3A_391 {strides = array<i32>} : memref<1040xf32, #tpu.memory_space<vmem>>, vector<16xf32>,
        %slice3A_392 = vector.extract_strided_slice %bitcast_convert_type3A_225 {offsets = [5], sizes = [1], strides = [1]} : vector<16xi32> to vector<1xi32>
        %squeeze3A_393 = vector.extract %slice3A_392[0] : i32 from vector<1xi32>
        %slice3A_394 = vector.extract_strided_slice %bitcast_convert_type3A_225 {offsets = [4], sizes = [1], strides = [1]} : vector<16xi32> to vector<1xi32>
        %squeeze3A_395 = vector.extract %slice3A_394[0] : i32 from vector<1xi32>
        %ne3A_396 = arith.cmpi ne, %squeeze3A_393, %squeeze3A_395 : i32
        %jit3A_397 = arith.constant 1.000000e+00 : f32
        %jit3A_398 = arith.constant 0.000000e+00 : f32
        %select_n3A_399 = arith.select %ne3A_396, %jit3A_397, %jit3A_398 : f32
        %eq3A_400 = vector.broadcast %squeeze3A_393 : i32 to vector<16xi32>
        %eq3A_401 = arith.cmpi eq, %bitcast_convert_type3A_225, %eq3A_400 : vector<16xi32>
        %jit3A_402 = arith.constant 0.000000e+00 : f32
        %broadcast_in_dim3A_403 = vector.broadcast %select_n3A_399 : f32 to vector<16xf32>
        %broadcast_in_dim3A_404 = vector.broadcast %jit3A_402 : f32 to vector<16xf32>
        %select_n3A_405 = arith.select %eq3A_401, %broadcast_in_dim3A_403, %broadcast_in_dim3A_404 : vector<16xi1>, vector<16xf32>
        %mul3A_406 = arith.constant 16 : i32
        %mul3A_407 = arith.muli %squeeze3A_393, %mul3A_406 : i32
        %multiple_of3A_408 = tpu.assume_multiple %mul3A_407, 16 : i32
        %get3A_409 = arith.index_cast %multiple_of3A_408 : i32 to index
        %get3A_410 = tpu.vector_load %arg5[%get3A_409] {strides = array<i32>} : memref<1040xf32, #tpu.memory_space<vmem>>, vector<16xf32>,
        %get3A_411 = vector.shape_cast %get3A_410 : vector<16xf32> to vector<16xf32>
        %mul3A_412 = arith.mulf %add3A_226, %select_n3A_405 : vector<16xf32>
        %add3A_413 = arith.addf %get3A_411, %mul3A_412 : vector<16xf32>
        %swap3A_414 = arith.index_cast %multiple_of3A_408 : i32 to index
        %swap3A_415 = tpu.vector_load %arg5[%swap3A_414] {strides = array<i32>} : memref<1040xf32, #tpu.memory_space<vmem>>, vector<16xf32>,
        %swap3A_416 = vector.shape_cast %swap3A_415 : vector<16xf32> to vector<16xf32>
        %swap3A_417 = vector.shape_cast %add3A_413 : vector<16xf32> to vector<16xf32>
        tpu.vector_store %arg5[%swap3A_414], %swap3A_417 {strides = array<i32>} : memref<1040xf32, #tpu.memory_space<vmem>>, vector<16xf32>,
        %get3A_418 = arith.index_cast %multiple_of3A_408 : i32 to index
        %get3A_419 = tpu.vector_load %arg6[%get3A_418] {strides = array<i32>} : memref<1040xf32, #tpu.memory_space<vmem>>, vector<16xf32>,
        %get3A_420 = vector.shape_cast %get3A_419 : vector<16xf32> to vector<16xf32>
        %add3A_421 = arith.addf %get3A_420, %select_n3A_405 : vector<16xf32>
        %swap3A_422 = arith.index_cast %multiple_of3A_408 : i32 to index
        %swap3A_423 = tpu.vector_load %arg6[%swap3A_422] {strides = array<i32>} : memref<1040xf32, #tpu.memory_space<vmem>>, vector<16xf32>,
        %swap3A_424 = vector.shape_cast %swap3A_423 : vector<16xf32> to vector<16xf32>
        %swap3A_425 = vector.shape_cast %add3A_421 : vector<16xf32> to vector<16xf32>
        tpu.vector_store %arg6[%swap3A_422], %swap3A_425 {strides = array<i32>} : memref<1040xf32, #tpu.memory_space<vmem>>, vector<16xf32>,
        %slice3A_426 = vector.extract_strided_slice %bitcast_convert_type3A_225 {offsets = [6], sizes = [1], strides = [1]} : vector<16xi32> to vector<1xi32>
        %squeeze3A_427 = vector.extract %slice3A_426[0] : i32 from vector<1xi32>
        %slice3A_428 = vector.extract_strided_slice %bitcast_convert_type3A_225 {offsets = [5], sizes = [1], strides = [1]} : vector<16xi32> to vector<1xi32>
        %squeeze3A_429 = vector.extract %slice3A_428[0] : i32 from vector<1xi32>
        %ne3A_430 = arith.cmpi ne, %squeeze3A_427, %squeeze3A_429 : i32
        %jit3A_431 = arith.constant 1.000000e+00 : f32
        %jit3A_432 = arith.constant 0.000000e+00 : f32
        %select_n3A_433 = arith.select %ne3A_430, %jit3A_431, %jit3A_432 : f32
        %eq3A_434 = vector.broadcast %squeeze3A_427 : i32 to vector<16xi32>
        %eq3A_435 = arith.cmpi eq, %bitcast_convert_type3A_225, %eq3A_434 : vector<16xi32>
        %jit3A_436 = arith.constant 0.000000e+00 : f32
        %broadcast_in_dim3A_437 = vector.broadcast %select_n3A_433 : f32 to vector<16xf32>
        %broadcast_in_dim3A_438 = vector.broadcast %jit3A_436 : f32 to vector<16xf32>
        %select_n3A_439 = arith.select %eq3A_435, %broadcast_in_dim3A_437, %broadcast_in_dim3A_438 : vector<16xi1>, vector<16xf32>
        %mul3A_440 = arith.constant 16 : i32
        %mul3A_441 = arith.muli %squeeze3A_427, %mul3A_440 : i32
        %multiple_of3A_442 = tpu.assume_multiple %mul3A_441, 16 : i32
        %get3A_443 = arith.index_cast %multiple_of3A_442 : i32 to index
        %get3A_444 = tpu.vector_load %arg5[%get3A_443] {strides = array<i32>} : memref<1040xf32, #tpu.memory_space<vmem>>, vector<16xf32>,
        %get3A_445 = vector.shape_cast %get3A_444 : vector<16xf32> to vector<16xf32>
        %mul3A_446 = arith.mulf %add3A_226, %select_n3A_439 : vector<16xf32>
        %add3A_447 = arith.addf %get3A_445, %mul3A_446 : vector<16xf32>
        %swap3A_448 = arith.index_cast %multiple_of3A_442 : i32 to index
        %swap3A_449 = tpu.vector_load %arg5[%swap3A_448] {strides = array<i32>} : memref<1040xf32, #tpu.memory_space<vmem>>, vector<16xf32>,
        %swap3A_450 = vector.shape_cast %swap3A_449 : vector<16xf32> to vector<16xf32>
        %swap3A_451 = vector.shape_cast %add3A_447 : vector<16xf32> to vector<16xf32>
        tpu.vector_store %arg5[%swap3A_448], %swap3A_451 {strides = array<i32>} : memref<1040xf32, #tpu.memory_space<vmem>>, vector<16xf32>,
        %get3A_452 = arith.index_cast %multiple_of3A_442 : i32 to index
        %get3A_453 = tpu.vector_load %arg6[%get3A_452] {strides = array<i32>} : memref<1040xf32, #tpu.memory_space<vmem>>, vector<16xf32>,
        %get3A_454 = vector.shape_cast %get3A_453 : vector<16xf32> to vector<16xf32>
        %add3A_455 = arith.addf %get3A_454, %select_n3A_439 : vector<16xf32>
        %swap3A_456 = arith.index_cast %multiple_of3A_442 : i32 to index
        %swap3A_457 = tpu.vector_load %arg6[%swap3A_456] {strides = array<i32>} : memref<1040xf32, #tpu.memory_space<vmem>>, vector<16xf32>,
        %swap3A_458 = vector.shape_cast %swap3A_457 : vector<16xf32> to vector<16xf32>
        %swap3A_459 = vector.shape_cast %add3A_455 : vector<16xf32> to vector<16xf32>
        tpu.vector_store %arg6[%swap3A_456], %swap3A_459 {strides = array<i32>} : memref<1040xf32, #tpu.memory_space<vmem>>, vector<16xf32>,
        %slice3A_460 = vector.extract_strided_slice %bitcast_convert_type3A_225 {offsets = [7], sizes = [1], strides = [1]} : vector<16xi32> to vector<1xi32>
        %squeeze3A_461 = vector.extract %slice3A_460[0] : i32 from vector<1xi32>
        %slice3A_462 = vector.extract_strided_slice %bitcast_convert_type3A_225 {offsets = [6], sizes = [1], strides = [1]} : vector<16xi32> to vector<1xi32>
        %squeeze3A_463 = vector.extract %slice3A_462[0] : i32 from vector<1xi32>
        %ne3A_464 = arith.cmpi ne, %squeeze3A_461, %squeeze3A_463 : i32
        %jit3A_465 = arith.constant 1.000000e+00 : f32
        %jit3A_466 = arith.constant 0.000000e+00 : f32
        %select_n3A_467 = arith.select %ne3A_464, %jit3A_465, %jit3A_466 : f32
        %eq3A_468 = vector.broadcast %squeeze3A_461 : i32 to vector<16xi32>
        %eq3A_469 = arith.cmpi eq, %bitcast_convert_type3A_225, %eq3A_468 : vector<16xi32>
        %jit3A_470 = arith.constant 0.000000e+00 : f32
        %broadcast_in_dim3A_471 = vector.broadcast %select_n3A_467 : f32 to vector<16xf32>
        %broadcast_in_dim3A_472 = vector.broadcast %jit3A_470 : f32 to vector<16xf32>
        %select_n3A_473 = arith.select %eq3A_469, %broadcast_in_dim3A_471, %broadcast_in_dim3A_472 : vector<16xi1>, vector<16xf32>
        %mul3A_474 = arith.constant 16 : i32
        %mul3A_475 = arith.muli %squeeze3A_461, %mul3A_474 : i32
        %multiple_of3A_476 = tpu.assume_multiple %mul3A_475, 16 : i32
        %get3A_477 = arith.index_cast %multiple_of3A_476 : i32 to index
        %get3A_478 = tpu.vector_load %arg5[%get3A_477] {strides = array<i32>} : memref<1040xf32, #tpu.memory_space<vmem>>, vector<16xf32>,
        %get3A_479 = vector.shape_cast %get3A_478 : vector<16xf32> to vector<16xf32>
        %mul3A_480 = arith.mulf %add3A_226, %select_n3A_473 : vector<16xf32>
        %add3A_481 = arith.addf %get3A_479, %mul3A_480 : vector<16xf32>
        %swap3A_482 = arith.index_cast %multiple_of3A_476 : i32 to index
        %swap3A_483 = tpu.vector_load %arg5[%swap3A_482] {strides = array<i32>} : memref<1040xf32, #tpu.memory_space<vmem>>, vector<16xf32>,
        %swap3A_484 = vector.shape_cast %swap3A_483 : vector<16xf32> to vector<16xf32>
        %swap3A_485 = vector.shape_cast %add3A_481 : vector<16xf32> to vector<16xf32>
        tpu.vector_store %arg5[%swap3A_482], %swap3A_485 {strides = array<i32>} : memref<1040xf32, #tpu.memory_space<vmem>>, vector<16xf32>,
        %get3A_486 = arith.index_cast %multiple_of3A_476 : i32 to index
        %get3A_487 = tpu.vector_load %arg6[%get3A_486] {strides = array<i32>} : memref<1040xf32, #tpu.memory_space<vmem>>, vector<16xf32>,
        %get3A_488 = vector.shape_cast %get3A_487 : vector<16xf32> to vector<16xf32>
        %add3A_489 = arith.addf %get3A_488, %select_n3A_473 : vector<16xf32>
        %swap3A_490 = arith.index_cast %multiple_of3A_476 : i32 to index
        %swap3A_491 = tpu.vector_load %arg6[%swap3A_490] {strides = array<i32>} : memref<1040xf32, #tpu.memory_space<vmem>>, vector<16xf32>,
        %swap3A_492 = vector.shape_cast %swap3A_491 : vector<16xf32> to vector<16xf32>
        %swap3A_493 = vector.shape_cast %add3A_489 : vector<16xf32> to vector<16xf32>
        tpu.vector_store %arg6[%swap3A_490], %swap3A_493 {strides = array<i32>} : memref<1040xf32, #tpu.memory_space<vmem>>, vector<16xf32>,
        %slice3A_494 = vector.extract_strided_slice %bitcast_convert_type3A_225 {offsets = [8], sizes = [1], strides = [1]} : vector<16xi32> to vector<1xi32>
        %squeeze3A_495 = vector.extract %slice3A_494[0] : i32 from vector<1xi32>
        %slice3A_496 = vector.extract_strided_slice %bitcast_convert_type3A_225 {offsets = [7], sizes = [1], strides = [1]} : vector<16xi32> to vector<1xi32>
        %squeeze3A_497 = vector.extract %slice3A_496[0] : i32 from vector<1xi32>
        %ne3A_498 = arith.cmpi ne, %squeeze3A_495, %squeeze3A_497 : i32
        %jit3A_499 = arith.constant 1.000000e+00 : f32
        %jit3A_500 = arith.constant 0.000000e+00 : f32
        %select_n3A_501 = arith.select %ne3A_498, %jit3A_499, %jit3A_500 : f32
        %eq3A_502 = vector.broadcast %squeeze3A_495 : i32 to vector<16xi32>
        %eq3A_503 = arith.cmpi eq, %bitcast_convert_type3A_225, %eq3A_502 : vector<16xi32>
        %jit3A_504 = arith.constant 0.000000e+00 : f32
        %broadcast_in_dim3A_505 = vector.broadcast %select_n3A_501 : f32 to vector<16xf32>
        %broadcast_in_dim3A_506 = vector.broadcast %jit3A_504 : f32 to vector<16xf32>
        %select_n3A_507 = arith.select %eq3A_503, %broadcast_in_dim3A_505, %broadcast_in_dim3A_506 : vector<16xi1>, vector<16xf32>
        %mul3A_508 = arith.constant 16 : i32
        %mul3A_509 = arith.muli %squeeze3A_495, %mul3A_508 : i32
        %multiple_of3A_510 = tpu.assume_multiple %mul3A_509, 16 : i32
        %get3A_511 = arith.index_cast %multiple_of3A_510 : i32 to index
        %get3A_512 = tpu.vector_load %arg5[%get3A_511] {strides = array<i32>} : memref<1040xf32, #tpu.memory_space<vmem>>, vector<16xf32>,
        %get3A_513 = vector.shape_cast %get3A_512 : vector<16xf32> to vector<16xf32>
        %mul3A_514 = arith.mulf %add3A_226, %select_n3A_507 : vector<16xf32>
        %add3A_515 = arith.addf %get3A_513, %mul3A_514 : vector<16xf32>
        %swap3A_516 = arith.index_cast %multiple_of3A_510 : i32 to index
        %swap3A_517 = tpu.vector_load %arg5[%swap3A_516] {strides = array<i32>} : memref<1040xf32, #tpu.memory_space<vmem>>, vector<16xf32>,
        %swap3A_518 = vector.shape_cast %swap3A_517 : vector<16xf32> to vector<16xf32>
        %swap3A_519 = vector.shape_cast %add3A_515 : vector<16xf32> to vector<16xf32>
        tpu.vector_store %arg5[%swap3A_516], %swap3A_519 {strides = array<i32>} : memref<1040xf32, #tpu.memory_space<vmem>>, vector<16xf32>,
        %get3A_520 = arith.index_cast %multiple_of3A_510 : i32 to index
        %get3A_521 = tpu.vector_load %arg6[%get3A_520] {strides = array<i32>} : memref<1040xf32, #tpu.memory_space<vmem>>, vector<16xf32>,
        %get3A_522 = vector.shape_cast %get3A_521 : vector<16xf32> to vector<16xf32>
        %add3A_523 = arith.addf %get3A_522, %select_n3A_507 : vector<16xf32>
        %swap3A_524 = arith.index_cast %multiple_of3A_510 : i32 to index
        %swap3A_525 = tpu.vector_load %arg6[%swap3A_524] {strides = array<i32>} : memref<1040xf32, #tpu.memory_space<vmem>>, vector<16xf32>,
        %swap3A_526 = vector.shape_cast %swap3A_525 : vector<16xf32> to vector<16xf32>
        %swap3A_527 = vector.shape_cast %add3A_523 : vector<16xf32> to vector<16xf32>
        tpu.vector_store %arg6[%swap3A_524], %swap3A_527 {strides = array<i32>} : memref<1040xf32, #tpu.memory_space<vmem>>, vector<16xf32>,
        %slice3A_528 = vector.extract_strided_slice %bitcast_convert_type3A_225 {offsets = [9], sizes = [1], strides = [1]} : vector<16xi32> to vector<1xi32>
        %squeeze3A_529 = vector.extract %slice3A_528[0] : i32 from vector<1xi32>
        %slice3A_530 = vector.extract_strided_slice %bitcast_convert_type3A_225 {offsets = [8], sizes = [1], strides = [1]} : vector<16xi32> to vector<1xi32>
        %squeeze3A_531 = vector.extract %slice3A_530[0] : i32 from vector<1xi32>
        %ne3A_532 = arith.cmpi ne, %squeeze3A_529, %squeeze3A_531 : i32
        %jit3A_533 = arith.constant 1.000000e+00 : f32
        %jit3A_534 = arith.constant 0.000000e+00 : f32
        %select_n3A_535 = arith.select %ne3A_532, %jit3A_533, %jit3A_534 : f32
        %eq3A_536 = vector.broadcast %squeeze3A_529 : i32 to vector<16xi32>
        %eq3A_537 = arith.cmpi eq, %bitcast_convert_type3A_225, %eq3A_536 : vector<16xi32>
        %jit3A_538 = arith.constant 0.000000e+00 : f32
        %broadcast_in_dim3A_539 = vector.broadcast %select_n3A_535 : f32 to vector<16xf32>
        %broadcast_in_dim3A_540 = vector.broadcast %jit3A_538 : f32 to vector<16xf32>
        %select_n3A_541 = arith.select %eq3A_537, %broadcast_in_dim3A_539, %broadcast_in_dim3A_540 : vector<16xi1>, vector<16xf32>
        %mul3A_542 = arith.constant 16 : i32
        %mul3A_543 = arith.muli %squeeze3A_529, %mul3A_542 : i32
        %multiple_of3A_544 = tpu.assume_multiple %mul3A_543, 16 : i32
        %get3A_545 = arith.index_cast %multiple_of3A_544 : i32 to index
        %get3A_546 = tpu.vector_load %arg5[%get3A_545] {strides = array<i32>} : memref<1040xf32, #tpu.memory_space<vmem>>, vector<16xf32>,
        %get3A_547 = vector.shape_cast %get3A_546 : vector<16xf32> to vector<16xf32>
        %mul3A_548 = arith.mulf %add3A_226, %select_n3A_541 : vector<16xf32>
        %add3A_549 = arith.addf %get3A_547, %mul3A_548 : vector<16xf32>
        %swap3A_550 = arith.index_cast %multiple_of3A_544 : i32 to index
        %swap3A_551 = tpu.vector_load %arg5[%swap3A_550] {strides = array<i32>} : memref<1040xf32, #tpu.memory_space<vmem>>, vector<16xf32>,
        %swap3A_552 = vector.shape_cast %swap3A_551 : vector<16xf32> to vector<16xf32>
        %swap3A_553 = vector.shape_cast %add3A_549 : vector<16xf32> to vector<16xf32>
        tpu.vector_store %arg5[%swap3A_550], %swap3A_553 {strides = array<i32>} : memref<1040xf32, #tpu.memory_space<vmem>>, vector<16xf32>,
        %get3A_554 = arith.index_cast %multiple_of3A_544 : i32 to index
        %get3A_555 = tpu.vector_load %arg6[%get3A_554] {strides = array<i32>} : memref<1040xf32, #tpu.memory_space<vmem>>, vector<16xf32>,
        %get3A_556 = vector.shape_cast %get3A_555 : vector<16xf32> to vector<16xf32>
        %add3A_557 = arith.addf %get3A_556, %select_n3A_541 : vector<16xf32>
        %swap3A_558 = arith.index_cast %multiple_of3A_544 : i32 to index
        %swap3A_559 = tpu.vector_load %arg6[%swap3A_558] {strides = array<i32>} : memref<1040xf32, #tpu.memory_space<vmem>>, vector<16xf32>,
        %swap3A_560 = vector.shape_cast %swap3A_559 : vector<16xf32> to vector<16xf32>
        %swap3A_561 = vector.shape_cast %add3A_557 : vector<16xf32> to vector<16xf32>
        tpu.vector_store %arg6[%swap3A_558], %swap3A_561 {strides = array<i32>} : memref<1040xf32, #tpu.memory_space<vmem>>, vector<16xf32>,
        %slice3A_562 = vector.extract_strided_slice %bitcast_convert_type3A_225 {offsets = [10], sizes = [1], strides = [1]} : vector<16xi32> to vector<1xi32>
        %squeeze3A_563 = vector.extract %slice3A_562[0] : i32 from vector<1xi32>
        %slice3A_564 = vector.extract_strided_slice %bitcast_convert_type3A_225 {offsets = [9], sizes = [1], strides = [1]} : vector<16xi32> to vector<1xi32>
        %squeeze3A_565 = vector.extract %slice3A_564[0] : i32 from vector<1xi32>
        %ne3A_566 = arith.cmpi ne, %squeeze3A_563, %squeeze3A_565 : i32
        %jit3A_567 = arith.constant 1.000000e+00 : f32
        %jit3A_568 = arith.constant 0.000000e+00 : f32
        %select_n3A_569 = arith.select %ne3A_566, %jit3A_567, %jit3A_568 : f32
        %eq3A_570 = vector.broadcast %squeeze3A_563 : i32 to vector<16xi32>
        %eq3A_571 = arith.cmpi eq, %bitcast_convert_type3A_225, %eq3A_570 : vector<16xi32>
        %jit3A_572 = arith.constant 0.000000e+00 : f32
        %broadcast_in_dim3A_573 = vector.broadcast %select_n3A_569 : f32 to vector<16xf32>
        %broadcast_in_dim3A_574 = vector.broadcast %jit3A_572 : f32 to vector<16xf32>
        %select_n3A_575 = arith.select %eq3A_571, %broadcast_in_dim3A_573, %broadcast_in_dim3A_574 : vector<16xi1>, vector<16xf32>
        %mul3A_576 = arith.constant 16 : i32
        %mul3A_577 = arith.muli %squeeze3A_563, %mul3A_576 : i32
        %multiple_of3A_578 = tpu.assume_multiple %mul3A_577, 16 : i32
        %get3A_579 = arith.index_cast %multiple_of3A_578 : i32 to index
        %get3A_580 = tpu.vector_load %arg5[%get3A_579] {strides = array<i32>} : memref<1040xf32, #tpu.memory_space<vmem>>, vector<16xf32>,
        %get3A_581 = vector.shape_cast %get3A_580 : vector<16xf32> to vector<16xf32>
        %mul3A_582 = arith.mulf %add3A_226, %select_n3A_575 : vector<16xf32>
        %add3A_583 = arith.addf %get3A_581, %mul3A_582 : vector<16xf32>
        %swap3A_584 = arith.index_cast %multiple_of3A_578 : i32 to index
        %swap3A_585 = tpu.vector_load %arg5[%swap3A_584] {strides = array<i32>} : memref<1040xf32, #tpu.memory_space<vmem>>, vector<16xf32>,
        %swap3A_586 = vector.shape_cast %swap3A_585 : vector<16xf32> to vector<16xf32>
        %swap3A_587 = vector.shape_cast %add3A_583 : vector<16xf32> to vector<16xf32>
        tpu.vector_store %arg5[%swap3A_584], %swap3A_587 {strides = array<i32>} : memref<1040xf32, #tpu.memory_space<vmem>>, vector<16xf32>,
        %get3A_588 = arith.index_cast %multiple_of3A_578 : i32 to index
        %get3A_589 = tpu.vector_load %arg6[%get3A_588] {strides = array<i32>} : memref<1040xf32, #tpu.memory_space<vmem>>, vector<16xf32>,
        %get3A_590 = vector.shape_cast %get3A_589 : vector<16xf32> to vector<16xf32>
        %add3A_591 = arith.addf %get3A_590, %select_n3A_575 : vector<16xf32>
        %swap3A_592 = arith.index_cast %multiple_of3A_578 : i32 to index
        %swap3A_593 = tpu.vector_load %arg6[%swap3A_592] {strides = array<i32>} : memref<1040xf32, #tpu.memory_space<vmem>>, vector<16xf32>,
        %swap3A_594 = vector.shape_cast %swap3A_593 : vector<16xf32> to vector<16xf32>
        %swap3A_595 = vector.shape_cast %add3A_591 : vector<16xf32> to vector<16xf32>
        tpu.vector_store %arg6[%swap3A_592], %swap3A_595 {strides = array<i32>} : memref<1040xf32, #tpu.memory_space<vmem>>, vector<16xf32>,
        %slice3A_596 = vector.extract_strided_slice %bitcast_convert_type3A_225 {offsets = [11], sizes = [1], strides = [1]} : vector<16xi32> to vector<1xi32>
        %squeeze3A_597 = vector.extract %slice3A_596[0] : i32 from vector<1xi32>
        %slice3A_598 = vector.extract_strided_slice %bitcast_convert_type3A_225 {offsets = [10], sizes = [1], strides = [1]} : vector<16xi32> to vector<1xi32>
        %squeeze3A_599 = vector.extract %slice3A_598[0] : i32 from vector<1xi32>
        %ne3A_600 = arith.cmpi ne, %squeeze3A_597, %squeeze3A_599 : i32
        %jit3A_601 = arith.constant 1.000000e+00 : f32
        %jit3A_602 = arith.constant 0.000000e+00 : f32
        %select_n3A_603 = arith.select %ne3A_600, %jit3A_601, %jit3A_602 : f32
        %eq3A_604 = vector.broadcast %squeeze3A_597 : i32 to vector<16xi32>
        %eq3A_605 = arith.cmpi eq, %bitcast_convert_type3A_225, %eq3A_604 : vector<16xi32>
        %jit3A_606 = arith.constant 0.000000e+00 : f32
        %broadcast_in_dim3A_607 = vector.broadcast %select_n3A_603 : f32 to vector<16xf32>
        %broadcast_in_dim3A_608 = vector.broadcast %jit3A_606 : f32 to vector<16xf32>
        %select_n3A_609 = arith.select %eq3A_605, %broadcast_in_dim3A_607, %broadcast_in_dim3A_608 : vector<16xi1>, vector<16xf32>
        %mul3A_610 = arith.constant 16 : i32
        %mul3A_611 = arith.muli %squeeze3A_597, %mul3A_610 : i32
        %multiple_of3A_612 = tpu.assume_multiple %mul3A_611, 16 : i32
        %get3A_613 = arith.index_cast %multiple_of3A_612 : i32 to index
        %get3A_614 = tpu.vector_load %arg5[%get3A_613] {strides = array<i32>} : memref<1040xf32, #tpu.memory_space<vmem>>, vector<16xf32>,
        %get3A_615 = vector.shape_cast %get3A_614 : vector<16xf32> to vector<16xf32>
        %mul3A_616 = arith.mulf %add3A_226, %select_n3A_609 : vector<16xf32>
        %add3A_617 = arith.addf %get3A_615, %mul3A_616 : vector<16xf32>
        %swap3A_618 = arith.index_cast %multiple_of3A_612 : i32 to index
        %swap3A_619 = tpu.vector_load %arg5[%swap3A_618] {strides = array<i32>} : memref<1040xf32, #tpu.memory_space<vmem>>, vector<16xf32>,
        %swap3A_620 = vector.shape_cast %swap3A_619 : vector<16xf32> to vector<16xf32>
        %swap3A_621 = vector.shape_cast %add3A_617 : vector<16xf32> to vector<16xf32>
        tpu.vector_store %arg5[%swap3A_618], %swap3A_621 {strides = array<i32>} : memref<1040xf32, #tpu.memory_space<vmem>>, vector<16xf32>,
        %get3A_622 = arith.index_cast %multiple_of3A_612 : i32 to index
        %get3A_623 = tpu.vector_load %arg6[%get3A_622] {strides = array<i32>} : memref<1040xf32, #tpu.memory_space<vmem>>, vector<16xf32>,
        %get3A_624 = vector.shape_cast %get3A_623 : vector<16xf32> to vector<16xf32>
        %add3A_625 = arith.addf %get3A_624, %select_n3A_609 : vector<16xf32>
        %swap3A_626 = arith.index_cast %multiple_of3A_612 : i32 to index
        %swap3A_627 = tpu.vector_load %arg6[%swap3A_626] {strides = array<i32>} : memref<1040xf32, #tpu.memory_space<vmem>>, vector<16xf32>,
        %swap3A_628 = vector.shape_cast %swap3A_627 : vector<16xf32> to vector<16xf32>
        %swap3A_629 = vector.shape_cast %add3A_625 : vector<16xf32> to vector<16xf32>
        tpu.vector_store %arg6[%swap3A_626], %swap3A_629 {strides = array<i32>} : memref<1040xf32, #tpu.memory_space<vmem>>, vector<16xf32>,
        %slice3A_630 = vector.extract_strided_slice %bitcast_convert_type3A_225 {offsets = [12], sizes = [1], strides = [1]} : vector<16xi32> to vector<1xi32>
        %squeeze3A_631 = vector.extract %slice3A_630[0] : i32 from vector<1xi32>
        %slice3A_632 = vector.extract_strided_slice %bitcast_convert_type3A_225 {offsets = [11], sizes = [1], strides = [1]} : vector<16xi32> to vector<1xi32>
        %squeeze3A_633 = vector.extract %slice3A_632[0] : i32 from vector<1xi32>
        %ne3A_634 = arith.cmpi ne, %squeeze3A_631, %squeeze3A_633 : i32
        %jit3A_635 = arith.constant 1.000000e+00 : f32
        %jit3A_636 = arith.constant 0.000000e+00 : f32
        %select_n3A_637 = arith.select %ne3A_634, %jit3A_635, %jit3A_636 : f32
        %eq3A_638 = vector.broadcast %squeeze3A_631 : i32 to vector<16xi32>
        %eq3A_639 = arith.cmpi eq, %bitcast_convert_type3A_225, %eq3A_638 : vector<16xi32>
        %jit3A_640 = arith.constant 0.000000e+00 : f32
        %broadcast_in_dim3A_641 = vector.broadcast %select_n3A_637 : f32 to vector<16xf32>
        %broadcast_in_dim3A_642 = vector.broadcast %jit3A_640 : f32 to vector<16xf32>
        %select_n3A_643 = arith.select %eq3A_639, %broadcast_in_dim3A_641, %broadcast_in_dim3A_642 : vector<16xi1>, vector<16xf32>
        %mul3A_644 = arith.constant 16 : i32
        %mul3A_645 = arith.muli %squeeze3A_631, %mul3A_644 : i32
        %multiple_of3A_646 = tpu.assume_multiple %mul3A_645, 16 : i32
        %get3A_647 = arith.index_cast %multiple_of3A_646 : i32 to index
        %get3A_648 = tpu.vector_load %arg5[%get3A_647] {strides = array<i32>} : memref<1040xf32, #tpu.memory_space<vmem>>, vector<16xf32>,
        %get3A_649 = vector.shape_cast %get3A_648 : vector<16xf32> to vector<16xf32>
        %mul3A_650 = arith.mulf %add3A_226, %select_n3A_643 : vector<16xf32>
        %add3A_651 = arith.addf %get3A_649, %mul3A_650 : vector<16xf32>
        %swap3A_652 = arith.index_cast %multiple_of3A_646 : i32 to index
        %swap3A_653 = tpu.vector_load %arg5[%swap3A_652] {strides = array<i32>} : memref<1040xf32, #tpu.memory_space<vmem>>, vector<16xf32>,
        %swap3A_654 = vector.shape_cast %swap3A_653 : vector<16xf32> to vector<16xf32>
        %swap3A_655 = vector.shape_cast %add3A_651 : vector<16xf32> to vector<16xf32>
        tpu.vector_store %arg5[%swap3A_652], %swap3A_655 {strides = array<i32>} : memref<1040xf32, #tpu.memory_space<vmem>>, vector<16xf32>,
        %get3A_656 = arith.index_cast %multiple_of3A_646 : i32 to index
        %get3A_657 = tpu.vector_load %arg6[%get3A_656] {strides = array<i32>} : memref<1040xf32, #tpu.memory_space<vmem>>, vector<16xf32>,
        %get3A_658 = vector.shape_cast %get3A_657 : vector<16xf32> to vector<16xf32>
        %add3A_659 = arith.addf %get3A_658, %select_n3A_643 : vector<16xf32>
        %swap3A_660 = arith.index_cast %multiple_of3A_646 : i32 to index
        %swap3A_661 = tpu.vector_load %arg6[%swap3A_660] {strides = array<i32>} : memref<1040xf32, #tpu.memory_space<vmem>>, vector<16xf32>,
        %swap3A_662 = vector.shape_cast %swap3A_661 : vector<16xf32> to vector<16xf32>
        %swap3A_663 = vector.shape_cast %add3A_659 : vector<16xf32> to vector<16xf32>
        tpu.vector_store %arg6[%swap3A_660], %swap3A_663 {strides = array<i32>} : memref<1040xf32, #tpu.memory_space<vmem>>, vector<16xf32>,
        %slice3A_664 = vector.extract_strided_slice %bitcast_convert_type3A_225 {offsets = [13], sizes = [1], strides = [1]} : vector<16xi32> to vector<1xi32>
        %squeeze3A_665 = vector.extract %slice3A_664[0] : i32 from vector<1xi32>
        %slice3A_666 = vector.extract_strided_slice %bitcast_convert_type3A_225 {offsets = [12], sizes = [1], strides = [1]} : vector<16xi32> to vector<1xi32>
        %squeeze3A_667 = vector.extract %slice3A_666[0] : i32 from vector<1xi32>
        %ne3A_668 = arith.cmpi ne, %squeeze3A_665, %squeeze3A_667 : i32
        %jit3A_669 = arith.constant 1.000000e+00 : f32
        %jit3A_670 = arith.constant 0.000000e+00 : f32
        %select_n3A_671 = arith.select %ne3A_668, %jit3A_669, %jit3A_670 : f32
        %eq3A_672 = vector.broadcast %squeeze3A_665 : i32 to vector<16xi32>
        %eq3A_673 = arith.cmpi eq, %bitcast_convert_type3A_225, %eq3A_672 : vector<16xi32>
        %jit3A_674 = arith.constant 0.000000e+00 : f32
        %broadcast_in_dim3A_675 = vector.broadcast %select_n3A_671 : f32 to vector<16xf32>
        %broadcast_in_dim3A_676 = vector.broadcast %jit3A_674 : f32 to vector<16xf32>
        %select_n3A_677 = arith.select %eq3A_673, %broadcast_in_dim3A_675, %broadcast_in_dim3A_676 : vector<16xi1>, vector<16xf32>
        %mul3A_678 = arith.constant 16 : i32
        %mul3A_679 = arith.muli %squeeze3A_665, %mul3A_678 : i32
        %multiple_of3A_680 = tpu.assume_multiple %mul3A_679, 16 : i32
        %get3A_681 = arith.index_cast %multiple_of3A_680 : i32 to index
        %get3A_682 = tpu.vector_load %arg5[%get3A_681] {strides = array<i32>} : memref<1040xf32, #tpu.memory_space<vmem>>, vector<16xf32>,
        %get3A_683 = vector.shape_cast %get3A_682 : vector<16xf32> to vector<16xf32>
        %mul3A_684 = arith.mulf %add3A_226, %select_n3A_677 : vector<16xf32>
        %add3A_685 = arith.addf %get3A_683, %mul3A_684 : vector<16xf32>
        %swap3A_686 = arith.index_cast %multiple_of3A_680 : i32 to index
        %swap3A_687 = tpu.vector_load %arg5[%swap3A_686] {strides = array<i32>} : memref<1040xf32, #tpu.memory_space<vmem>>, vector<16xf32>,
        %swap3A_688 = vector.shape_cast %swap3A_687 : vector<16xf32> to vector<16xf32>
        %swap3A_689 = vector.shape_cast %add3A_685 : vector<16xf32> to vector<16xf32>
        tpu.vector_store %arg5[%swap3A_686], %swap3A_689 {strides = array<i32>} : memref<1040xf32, #tpu.memory_space<vmem>>, vector<16xf32>,
        %get3A_690 = arith.index_cast %multiple_of3A_680 : i32 to index
        %get3A_691 = tpu.vector_load %arg6[%get3A_690] {strides = array<i32>} : memref<1040xf32, #tpu.memory_space<vmem>>, vector<16xf32>,
        %get3A_692 = vector.shape_cast %get3A_691 : vector<16xf32> to vector<16xf32>
        %add3A_693 = arith.addf %get3A_692, %select_n3A_677 : vector<16xf32>
        %swap3A_694 = arith.index_cast %multiple_of3A_680 : i32 to index
        %swap3A_695 = tpu.vector_load %arg6[%swap3A_694] {strides = array<i32>} : memref<1040xf32, #tpu.memory_space<vmem>>, vector<16xf32>,
        %swap3A_696 = vector.shape_cast %swap3A_695 : vector<16xf32> to vector<16xf32>
        %swap3A_697 = vector.shape_cast %add3A_693 : vector<16xf32> to vector<16xf32>
        tpu.vector_store %arg6[%swap3A_694], %swap3A_697 {strides = array<i32>} : memref<1040xf32, #tpu.memory_space<vmem>>, vector<16xf32>,
        %slice3A_698 = vector.extract_strided_slice %bitcast_convert_type3A_225 {offsets = [14], sizes = [1], strides = [1]} : vector<16xi32> to vector<1xi32>
        %squeeze3A_699 = vector.extract %slice3A_698[0] : i32 from vector<1xi32>
        %slice3A_700 = vector.extract_strided_slice %bitcast_convert_type3A_225 {offsets = [13], sizes = [1], strides = [1]} : vector<16xi32> to vector<1xi32>
        %squeeze3A_701 = vector.extract %slice3A_700[0] : i32 from vector<1xi32>
        %ne3A_702 = arith.cmpi ne, %squeeze3A_699, %squeeze3A_701 : i32
        %jit3A_703 = arith.constant 1.000000e+00 : f32
        %jit3A_704 = arith.constant 0.000000e+00 : f32
        %select_n3A_705 = arith.select %ne3A_702, %jit3A_703, %jit3A_704 : f32
        %eq3A_706 = vector.broadcast %squeeze3A_699 : i32 to vector<16xi32>
        %eq3A_707 = arith.cmpi eq, %bitcast_convert_type3A_225, %eq3A_706 : vector<16xi32>
        %jit3A_708 = arith.constant 0.000000e+00 : f32
        %broadcast_in_dim3A_709 = vector.broadcast %select_n3A_705 : f32 to vector<16xf32>
        %broadcast_in_dim3A_710 = vector.broadcast %jit3A_708 : f32 to vector<16xf32>
        %select_n3A_711 = arith.select %eq3A_707, %broadcast_in_dim3A_709, %broadcast_in_dim3A_710 : vector<16xi1>, vector<16xf32>
        %mul3A_712 = arith.constant 16 : i32
        %mul3A_713 = arith.muli %squeeze3A_699, %mul3A_712 : i32
        %multiple_of3A_714 = tpu.assume_multiple %mul3A_713, 16 : i32
        %get3A_715 = arith.index_cast %multiple_of3A_714 : i32 to index
        %get3A_716 = tpu.vector_load %arg5[%get3A_715] {strides = array<i32>} : memref<1040xf32, #tpu.memory_space<vmem>>, vector<16xf32>,
        %get3A_717 = vector.shape_cast %get3A_716 : vector<16xf32> to vector<16xf32>
        %mul3A_718 = arith.mulf %add3A_226, %select_n3A_711 : vector<16xf32>
        %add3A_719 = arith.addf %get3A_717, %mul3A_718 : vector<16xf32>
        %swap3A_720 = arith.index_cast %multiple_of3A_714 : i32 to index
        %swap3A_721 = tpu.vector_load %arg5[%swap3A_720] {strides = array<i32>} : memref<1040xf32, #tpu.memory_space<vmem>>, vector<16xf32>,
        %swap3A_722 = vector.shape_cast %swap3A_721 : vector<16xf32> to vector<16xf32>
        %swap3A_723 = vector.shape_cast %add3A_719 : vector<16xf32> to vector<16xf32>
        tpu.vector_store %arg5[%swap3A_720], %swap3A_723 {strides = array<i32>} : memref<1040xf32, #tpu.memory_space<vmem>>, vector<16xf32>,
        %get3A_724 = arith.index_cast %multiple_of3A_714 : i32 to index
        %get3A_725 = tpu.vector_load %arg6[%get3A_724] {strides = array<i32>} : memref<1040xf32, #tpu.memory_space<vmem>>, vector<16xf32>,
        %get3A_726 = vector.shape_cast %get3A_725 : vector<16xf32> to vector<16xf32>
        %add3A_727 = arith.addf %get3A_726, %select_n3A_711 : vector<16xf32>
        %swap3A_728 = arith.index_cast %multiple_of3A_714 : i32 to index
        %swap3A_729 = tpu.vector_load %arg6[%swap3A_728] {strides = array<i32>} : memref<1040xf32, #tpu.memory_space<vmem>>, vector<16xf32>,
        %swap3A_730 = vector.shape_cast %swap3A_729 : vector<16xf32> to vector<16xf32>
        %swap3A_731 = vector.shape_cast %add3A_727 : vector<16xf32> to vector<16xf32>
        tpu.vector_store %arg6[%swap3A_728], %swap3A_731 {strides = array<i32>} : memref<1040xf32, #tpu.memory_space<vmem>>, vector<16xf32>,
        %slice3A_732 = vector.extract_strided_slice %bitcast_convert_type3A_225 {offsets = [15], sizes = [1], strides = [1]} : vector<16xi32> to vector<1xi32>
        %squeeze3A_733 = vector.extract %slice3A_732[0] : i32 from vector<1xi32>
        %slice3A_734 = vector.extract_strided_slice %bitcast_convert_type3A_225 {offsets = [14], sizes = [1], strides = [1]} : vector<16xi32> to vector<1xi32>
        %squeeze3A_735 = vector.extract %slice3A_734[0] : i32 from vector<1xi32>
        %ne3A_736 = arith.cmpi ne, %squeeze3A_733, %squeeze3A_735 : i32
        %jit3A_737 = arith.constant 1.000000e+00 : f32
        %jit3A_738 = arith.constant 0.000000e+00 : f32
        %select_n3A_739 = arith.select %ne3A_736, %jit3A_737, %jit3A_738 : f32
        %eq3A_740 = vector.broadcast %squeeze3A_733 : i32 to vector<16xi32>
        %eq3A_741 = arith.cmpi eq, %bitcast_convert_type3A_225, %eq3A_740 : vector<16xi32>
        %jit3A_742 = arith.constant 0.000000e+00 : f32
        %broadcast_in_dim3A_743 = vector.broadcast %select_n3A_739 : f32 to vector<16xf32>
        %broadcast_in_dim3A_744 = vector.broadcast %jit3A_742 : f32 to vector<16xf32>
        %select_n3A_745 = arith.select %eq3A_741, %broadcast_in_dim3A_743, %broadcast_in_dim3A_744 : vector<16xi1>, vector<16xf32>
        %mul3A_746 = arith.constant 16 : i32
        %mul3A_747 = arith.muli %squeeze3A_733, %mul3A_746 : i32
        %multiple_of3A_748 = tpu.assume_multiple %mul3A_747, 16 : i32
        %get3A_749 = arith.index_cast %multiple_of3A_748 : i32 to index
        %get3A_750 = tpu.vector_load %arg5[%get3A_749] {strides = array<i32>} : memref<1040xf32, #tpu.memory_space<vmem>>, vector<16xf32>,
        %get3A_751 = vector.shape_cast %get3A_750 : vector<16xf32> to vector<16xf32>
        %mul3A_752 = arith.mulf %add3A_226, %select_n3A_745 : vector<16xf32>
        %add3A_753 = arith.addf %get3A_751, %mul3A_752 : vector<16xf32>
        %swap3A_754 = arith.index_cast %multiple_of3A_748 : i32 to index
        %swap3A_755 = tpu.vector_load %arg5[%swap3A_754] {strides = array<i32>} : memref<1040xf32, #tpu.memory_space<vmem>>, vector<16xf32>,
        %swap3A_756 = vector.shape_cast %swap3A_755 : vector<16xf32> to vector<16xf32>
        %swap3A_757 = vector.shape_cast %add3A_753 : vector<16xf32> to vector<16xf32>
        tpu.vector_store %arg5[%swap3A_754], %swap3A_757 {strides = array<i32>} : memref<1040xf32, #tpu.memory_space<vmem>>, vector<16xf32>,
        %get3A_758 = arith.index_cast %multiple_of3A_748 : i32 to index
        %get3A_759 = tpu.vector_load %arg6[%get3A_758] {strides = array<i32>} : memref<1040xf32, #tpu.memory_space<vmem>>, vector<16xf32>,
        %get3A_760 = vector.shape_cast %get3A_759 : vector<16xf32> to vector<16xf32>
        %add3A_761 = arith.addf %get3A_760, %select_n3A_745 : vector<16xf32>
        %swap3A_762 = arith.index_cast %multiple_of3A_748 : i32 to index
        %swap3A_763 = tpu.vector_load %arg6[%swap3A_762] {strides = array<i32>} : memref<1040xf32, #tpu.memory_space<vmem>>, vector<16xf32>,
        %swap3A_764 = vector.shape_cast %swap3A_763 : vector<16xf32> to vector<16xf32>
        %swap3A_765 = vector.shape_cast %add3A_761 : vector<16xf32> to vector<16xf32>
        tpu.vector_store %arg6[%swap3A_762], %swap3A_765 {strides = array<i32>} : memref<1040xf32, #tpu.memory_space<vmem>>, vector<16xf32>,
      } else {
      }
    }
    %scan3A_14 = arith.constant 196 : i32
    %run_scoped3A = arith.constant 0 : i32
    "tpu.region"() ({
      %run_scoped3A_16 = tpu.sem_alloc : memref<!tpu.dma_semaphore, #tpu.memory_space<semaphore_mem>>
      %dma_start3A = arith.constant 0 : i32
      %dma_start3A_17 = tpu.memref_slice %arg3[%run_scoped3A, %add3A, %dma_start3A] : memref<2x32x1040xf32, #tpu.memory_space<hbm>> -> memref<1x1x1040xf32, #tpu.memory_space<hbm>>
      %dma_start3A_18 = tpu.memref_squeeze %dma_start3A_17 : memref<1x1x1040xf32, #tpu.memory_space<hbm>> -> memref<1040xf32, #tpu.memory_space<hbm>>
      %dma_start3A_19 = arith.constant 0 : i32
      %dma_start3A_20 = tpu.memref_slice %arg3[%run_scoped3A, %add3A, %dma_start3A_19] : memref<2x32x1040xf32, #tpu.memory_space<hbm>> -> memref<1x1x1040xf32, #tpu.memory_space<hbm>>
      %dma_start3A_21 = tpu.memref_squeeze %dma_start3A_20 : memref<1x1x1040xf32, #tpu.memory_space<hbm>> -> memref<1040xf32, #tpu.memory_space<hbm>>
      tpu.enqueue_dma source(%arg5 : memref<1040xf32, #tpu.memory_space<vmem>>) target(%dma_start3A_21 : memref<1040xf32, #tpu.memory_space<hbm>>) target_semaphore(%run_scoped3A_16 : memref<!tpu.dma_semaphore, #tpu.memory_space<semaphore_mem>>)
      %dma_wait3A = arith.constant 0 : i32
      %dma_wait3A_22 = tpu.memref_slice %arg3[%run_scoped3A, %add3A, %dma_wait3A] : memref<2x32x1040xf32, #tpu.memory_space<hbm>> -> memref<1x1x1040xf32, #tpu.memory_space<hbm>>
      %dma_wait3A_23 = tpu.memref_squeeze %dma_wait3A_22 : memref<1x1x1040xf32, #tpu.memory_space<hbm>> -> memref<1040xf32, #tpu.memory_space<hbm>>
      %dma_wait3A_24 = arith.constant 0 : i32
      %dma_wait3A_25 = tpu.memref_slice %arg3[%run_scoped3A, %add3A, %dma_wait3A_24] : memref<2x32x1040xf32, #tpu.memory_space<hbm>> -> memref<1x1x1040xf32, #tpu.memory_space<hbm>>
      %dma_wait3A_26 = tpu.memref_squeeze %dma_wait3A_25 : memref<1x1x1040xf32, #tpu.memory_space<hbm>> -> memref<1040xf32, #tpu.memory_space<hbm>>
      tpu.wait_dma2 semaphore(%run_scoped3A_16 : memref<!tpu.dma_semaphore, #tpu.memory_space<semaphore_mem>>) src(%arg5 : memref<1040xf32, #tpu.memory_space<vmem>>) dst(%dma_wait3A_26 : memref<1040xf32, #tpu.memory_space<hbm>>)
      tpu.yield
    }) : () -> ()
    %run_scoped3A_15 = arith.constant 1 : i32
    "tpu.region"() ({
      %run_scoped3A_16 = tpu.sem_alloc : memref<!tpu.dma_semaphore, #tpu.memory_space<semaphore_mem>>
      %dma_start3A = arith.constant 0 : i32
      %dma_start3A_17 = tpu.memref_slice %arg3[%run_scoped3A_15, %add3A, %dma_start3A] : memref<2x32x1040xf32, #tpu.memory_space<hbm>> -> memref<1x1x1040xf32, #tpu.memory_space<hbm>>
      %dma_start3A_18 = tpu.memref_squeeze %dma_start3A_17 : memref<1x1x1040xf32, #tpu.memory_space<hbm>> -> memref<1040xf32, #tpu.memory_space<hbm>>
      %dma_start3A_19 = arith.constant 0 : i32
      %dma_start3A_20 = tpu.memref_slice %arg3[%run_scoped3A_15, %add3A, %dma_start3A_19] : memref<2x32x1040xf32, #tpu.memory_space<hbm>> -> memref<1x1x1040xf32, #tpu.memory_space<hbm>>
      %dma_start3A_21 = tpu.memref_squeeze %dma_start3A_20 : memref<1x1x1040xf32, #tpu.memory_space<hbm>> -> memref<1040xf32, #tpu.memory_space<hbm>>
      tpu.enqueue_dma source(%arg6 : memref<1040xf32, #tpu.memory_space<vmem>>) target(%dma_start3A_21 : memref<1040xf32, #tpu.memory_space<hbm>>) target_semaphore(%run_scoped3A_16 : memref<!tpu.dma_semaphore, #tpu.memory_space<semaphore_mem>>)
      %dma_wait3A = arith.constant 0 : i32
      %dma_wait3A_22 = tpu.memref_slice %arg3[%run_scoped3A_15, %add3A, %dma_wait3A] : memref<2x32x1040xf32, #tpu.memory_space<hbm>> -> memref<1x1x1040xf32, #tpu.memory_space<hbm>>
      %dma_wait3A_23 = tpu.memref_squeeze %dma_wait3A_22 : memref<1x1x1040xf32, #tpu.memory_space<hbm>> -> memref<1040xf32, #tpu.memory_space<hbm>>
      %dma_wait3A_24 = arith.constant 0 : i32
      %dma_wait3A_25 = tpu.memref_slice %arg3[%run_scoped3A_15, %add3A, %dma_wait3A_24] : memref<2x32x1040xf32, #tpu.memory_space<hbm>> -> memref<1x1x1040xf32, #tpu.memory_space<hbm>>
      %dma_wait3A_26 = tpu.memref_squeeze %dma_wait3A_25 : memref<1x1x1040xf32, #tpu.memory_space<hbm>> -> memref<1040xf32, #tpu.memory_space<hbm>>
      tpu.wait_dma2 semaphore(%run_scoped3A_16 : memref<!tpu.dma_semaphore, #tpu.memory_space<semaphore_mem>>) src(%arg6 : memref<1040xf32, #tpu.memory_space<vmem>>) dst(%dma_wait3A_26 : memref<1040xf32, #tpu.memory_space<hbm>>)
      tpu.yield
    }) : () -> ()
    return
  }
}

module attributes {stable_mosaic.version = 14 : i64} {
  func.func @_combine_kernel(%arg0: memref<2x32x1040xf32, #tpu.memory_space<vmem>>, %arg1: memref<64xf32, #tpu.memory_space<vmem>>) attributes {dimension_semantics = [], scalar_prefetch = 0 : i64, scratch_operands = 0 : i64, tpu.core_type = #tpu.core_type<tc>} {
    %get3A = arith.constant 0 : index
    %get3A_0 = arith.constant 0 : index
    %get3A_1 = arith.constant 0 : index
    %get3A_2 = vector.load %arg0[%get3A, %get3A_0, %get3A_1] : memref<2x32x1040xf32, #tpu.memory_space<vmem>>, vector<2x32x1040xf32>
    %reshape3A = vector.shape_cast %get3A_2 : vector<2x32x1040xf32> to vector<2x32x65x16xf32>
    %slice3A = vector.extract_strided_slice %reshape3A {offsets = [0, 0, 0, 0], sizes = [1, 32, 64, 16], strides = [1, 1, 1, 1]} : vector<2x32x65x16xf32> to vector<1x32x64x16xf32>
    %squeeze3A = vector.shape_cast %slice3A : vector<1x32x64x16xf32> to vector<32x64x16xf32>
    %reduce_sum3A = arith.constant dense<0.000000e+00> : vector<64xf32>
    %reduce_sum3A_3 = vector.multi_reduction <add>, %squeeze3A, %reduce_sum3A [0, 2] : vector<32x64x16xf32> to vector<64xf32>
    %slice3A_4 = vector.extract_strided_slice %reshape3A {offsets = [1, 0, 0, 0], sizes = [1, 32, 64, 16], strides = [1, 1, 1, 1]} : vector<2x32x65x16xf32> to vector<1x32x64x16xf32>
    %squeeze3A_5 = vector.shape_cast %slice3A_4 : vector<1x32x64x16xf32> to vector<32x64x16xf32>
    %reduce_sum3A_6 = arith.constant dense<0.000000e+00> : vector<64xf32>
    %reduce_sum3A_7 = vector.multi_reduction <add>, %squeeze3A_5, %reduce_sum3A_6 [0, 2] : vector<32x64x16xf32> to vector<64xf32>
    %max3A = arith.constant 1.000000e+00 : f32
    %max3A_8 = vector.broadcast %max3A : f32 to vector<64xf32>
    %max3A_9 = arith.maximumf %reduce_sum3A_7, %max3A_8 : vector<64xf32>
    %div3A = arith.divf %reduce_sum3A_3, %max3A_9 : vector<64xf32>
    %swap3A = arith.constant 0 : index
    %swap3A_10 = vector.load %arg1[%swap3A] : memref<64xf32, #tpu.memory_space<vmem>>, vector<64xf32>
    tpu.vector_store %arg1[%swap3A], %div3A {strides = array<i32>} : memref<64xf32, #tpu.memory_space<vmem>>, vector<64xf32>,
    return
  }
}

</mosaic_0001>

<sc_bundles>
// kernel: kernel.4.cloned.1.call-start
scs
__scs_entry_jumppad:
0x0: {  	(pc) =	sbr.rel $0x88, $3  }
0x1: {  	(tag) =	ssettag $0x0;
	lr =	simm.s32 $0x1  }
0x2: {  	[smem:$0x3F9A] =	sst lr;
	_ =	strace $0xD0000000  }
0x3: {  	_ = 	snop  }
0x4: {  	_ = 	snop  }
0x5: {  	_ = 	snop  }
0x6: {  	_ = 	snop  }
0x7: {  	_ = 	snop  }
__scs_overlays_trampoline_lowered:
0x8: {  	[smem:$0x3FA9] =	sst s0  }
0x9: {  	[smem:$0x3FAA] =	sst s1  }
0xa: {  	[smem:$0x3FAB] =	sst s2  }
0xb: {  	[smem:$0x3FAC] =	sst s3  }
0xc: {  	[smem:$0x3FAD] =	sst s4  }
0xd: {  	[smem:$0x3FAE] =	sst s5  }
0xe: {  	[smem:$0x3FAF] =	sst s6  }
0xf: {  	[smem:$0x3FB0] =	sst s7  }
0x10: {  	[smem:$0x3FB1] =	sst s8  }
0x11: {  	[smem:$0x3FB2] =	sst s9;
	s0 =	simm.s32 @!p0 $0x0  }
0x12: {  	s1 =	sld [smem:$0x3F98];
	s0 =	simm.s32 @p0 $0x1  }
0x13: {  	[smem:$0x3FB3] =	sst s0;
	s0 =	simm.s32 @!p1 $0x0  }
0x14: {  	s2 =	sld [smem:$0x3F97];
	s0 =	simm.s32 @p1 $0x1  }
0x15: {  	[smem:$0x3FB4] =	sst s0;
	s0 =	simm.s32 @!p2 $0x0  }
0x16: {  	s3 =	sld [smem:$0x3FDB];
	s0 =	simm.s32 @p2 $0x1  }
0x17: {  	s4 =	simm.s32 $0x1BF5;
	[smem:$0x3FB6] =	sst s0  }
0x18: {  	s0 =	sld [smem:$0x3F99];
	_ =	swait.ge [sflag:s4], $0x0  }
0x19: {  	s7 =	sld [smem:$0x3F9A]  }
0x1a: {  	s8 =	sadd.s32 $0xFFFFE003, lr  }
0x1b: {  	s9 =	sadd.s32 $0xFFFFFEF7, lr;
	s5 =	simm.s32 $0xFFFFFFFF;
	p2 =	slt.u32 s8, $0xFFFFF086  }
0x1c: {  	p1 =	slt.u32 s9, $0xF7A;
	s5 =	simm.s32 @!p2 $0x0  }
0x1d: {  	s5 =	simm.s32 @p1 $0x1;
	p0 =	seq.s32 s7, s2  }
0x1e: {  	s7 =	smul.u32 @!p0 $0xF7A, s2;
	p2 =	seq.s32 @!p0 s5, $0x0  }
0x1f: {  	s9 =	smul.u32 $0xF7A, s1;
	s8 =	simm.s32 @!p0 $0x1BF5;
	p2 =	por !p2, p0  }
0x20: {  	[sflag:s8] =	ssyncset.s32 @!p0 $0xFFFFF086;
	s6 =	sadd.s32 @!p0 s3, s7;
	s7 =	simm.s32 @!p0 $0x108  }
0x21: {  	s3 =	sadd.s32 s3, s9;
	s6 =	sadd.s32 @!p0 $0x88, s6;
	s7 =	simm.s32 @p2 $0x1082  }
0x22: {  	[simem:s7], [sflag:s8] =	dma.local @!p0 [hbm:s6], $0xF7A  }
0x23: {  	s9 =	sor.u32 $0xD0000000, s2;
	s6 =	simm.s32 $0x108;
	_ =	swait.ge @!p0 [sflag:s8], $0x0  }
0x24: {  	s3 =	sadd.s32 $0x88, s3;
	s6 =	simm.s32 @!p1 $0x1082;
	[sflag:s4] =	ssyncset.s32 $0xFFFFF086  }
0x25: {  	[simem:s6], [sflag:s4] =	dma.local [hbm:s3], $0xF7A  }
0x26: {  	[smem:$0x3F9A] =	sst s1;
	(tag) =	ssettag s2;
	_ =	strace s9  }
0x27: {  	s1 =	sld [smem:$0x3FAA]  }
0x28: {  	s2 =	sld [smem:$0x3FAB]  }
0x29: {  	s4 =	sld [smem:$0x3FAD]  }
0x2a: {  	p0 =	seq.s32 s5, $0x0;
	s5 =	sld [smem:$0x3FAE]  }
0x2b: {  	s6 =	sld [smem:$0x3FAF]  }
0x2c: {  	s7 =	sld [smem:$0x3FB0]  }
0x2d: {  	s3 =	simm.s32 $0x108;
	s8 =	sld [smem:$0x3FB1]  }
0x2e: {  	s3 =	simm.s32 @!p0 $0x1082;
	s9 =	sld [smem:$0x3FB2]  }
0x2f: {  	lr =	sadd.s32 s0, s3;
	s0 =	sld [smem:$0x3FA9]  }
0x30: {  	s3 =	sld [smem:$0x3FAC]  }
0x31: {  	[smem:$0x3FB5] =	sst s10  }
0x32: {  	s10 =	sld [smem:$0x3FB3];
	_ =	sdelay $0x3  }
0x33: {  	p0 =	seq.s32 s10, $0x1;
	s10 =	sld [smem:$0x3FB5];
	_ =	sdelay $0x3  }
0x34: {  	[smem:$0x3FB5] =	sst s10  }
0x35: {  	s10 =	sld [smem:$0x3FB4];
	_ =	sdelay $0x3  }
0x36: {  	p1 =	seq.s32 s10, $0x1;
	s10 =	sld [smem:$0x3FB5];
	_ =	sdelay $0x3  }
0x37: {  	[smem:$0x3FB5] =	sst s10  }
0x38: {  	s10 =	sld [smem:$0x3FB6]  }
0x39: {  	_ = 	snop;
	(pc) =	sbr.ind lr, $3  }
0x3a: {  	_ = 	snop  }
0x3b: {  	_ = 	snop  }
0x3c: {  	p2 =	seq.s32 s10, $0x1;
	s10 =	sld [smem:$0x3FB5]  }
0x3d: {  	_ =	shalt  }
0x3e: {  	_ =	shalt  }
0x3f: {  	_ =	shalt  }
0x40: {  	_ =	shalt  }
0x41: {  	_ =	shalt  }
0x42: {  	_ =	shalt  }
0x43: {  	_ =	shalt  }
0x44: {  	_ =	shalt  }
0x45: {  	_ =	shalt  }
0x46: {  	_ =	shalt  }
0x47: {  	_ =	shalt  }
0x48: {  	_ =	shalt  }
0x49: {  	_ =	shalt  }
0x4a: {  	_ =	shalt  }
0x4b: {  	_ =	shalt  }
0x4c: {  	_ =	shalt  }
0x4d: {  	_ =	shalt  }
0x4e: {  	_ =	shalt  }
0x4f: {  	_ =	shalt  }
0x50: {  	_ =	shalt  }
0x51: {  	_ =	shalt  }
0x52: {  	_ =	shalt  }
0x53: {  	_ =	shalt  }
0x54: {  	_ =	shalt  }
0x55: {  	_ =	shalt  }
0x56: {  	_ =	shalt  }
0x57: {  	_ =	shalt  }
0x58: {  	_ =	shalt  }
0x59: {  	_ =	shalt  }
0x5a: {  	_ =	shalt  }
0x5b: {  	_ =	shalt  }
0x5c: {  	_ =	shalt  }
0x5d: {  	_ =	shalt  }
0x5e: {  	_ =	shalt  }
0x5f: {  	_ =	shalt  }
0x60: {  	_ =	shalt  }
0x61: {  	_ =	shalt  }
0x62: {  	_ =	shalt  }
0x63: {  	_ =	shalt  }
0x64: {  	_ =	shalt  }
0x65: {  	_ =	shalt  }
0x66: {  	_ =	shalt  }
0x67: {  	_ =	shalt  }
0x68: {  	_ =	shalt  }
0x69: {  	_ =	shalt  }
0x6a: {  	_ =	shalt  }
0x6b: {  	_ =	shalt  }
0x6c: {  	_ =	shalt  }
0x6d: {  	_ =	shalt  }
0x6e: {  	_ =	shalt  }
0x6f: {  	_ =	shalt  }
0x70: {  	_ =	shalt  }
0x71: {  	_ =	shalt  }
0x72: {  	_ =	shalt  }
0x73: {  	_ =	shalt  }
0x74: {  	_ =	shalt  }
0x75: {  	_ =	shalt  }
0x76: {  	_ =	shalt  }
0x77: {  	_ =	shalt  }
0x78: {  	_ =	shalt  }
0x79: {  	_ =	shalt  }
0x7a: {  	_ =	shalt  }
0x7b: {  	_ =	shalt  }
0x7c: {  	_ =	shalt  }
0x7d: {  	_ =	shalt  }
0x7e: {  	_ =	shalt  }
0x7f: {  	_ =	shalt  }
0x80: {  	_ =	shalt  }
0x81: {  	_ =	shalt  }
0x82: {  	_ =	shalt  }
0x83: {  	_ =	shalt  }
0x84: {  	_ =	shalt  }
0x85: {  	_ =	shalt  }
0x86: {  	_ =	shalt  }
0x87: {  	_ =	shalt  }
.Lfunc_end0:
.L_simem_size_0:
called_computation_lowered:
.L_overlay_start_0:
0x88: {  	s2 =	sld [smem:$0x3FD9]  }
0x89: {  	s3 =	sld [smem:$0x3FFE];
	_ =	sdelay $0x1  }
0x8a: {  	s1 =	srdreg.scid  }
0x8b: {  	s0 =	sand.u32 $0x1, s1  }
0x8c: {  	s16 =	sshll.u32 s0, $0xA;
	s2 =	sadd.s32 s3, s2  }
0x8d: {  	s2 =	sadd.s32 s2, s16  }
0x8e: {  	[smem:$0x3FC1] =	sst s2  }
0x8f: {  	_ = 	snop  }
0x90: {  	(tm) =	ssettm $0x1  }
0x91: {  	s17 =	sld [smem:$0x3FFB];
	_ =	sdelay $0x3  }
0x92: {  	_ =	strace s17  }
0x93: {  	s2 =	sld [smem:$0x3FFC];
	_ =	sdelay $0x3  }
0x94: {  	_ =	strace s2  }
0x95: {  	s2 =	sld [smem:$0x3FFD];
	_ =	sdelay $0x3  }
0x96: {  	_ =	strace s2  }
0x97: {  	_ =	strace $0x8FFFFFFF  }
0x98: {  	s18 =	sld [smem:$0x3FDB];
	_ =	sdelay $0x1  }
0x99: {  	s19 =	simm.s32 $_scs_section_size  }
0x9a: {  	s4 =	simm.s32 $_size__tile_overlayer_lowered;
	s5 =	simm.s32 $_tile_overlayer_lowered  }
0x9b: {  	s22 =	simm.s32 $0x1BFF;
	s21 =	sshll.u32 s5, $0x1;
	s2 =	sadd.s32 s19, s18  }
0x9c: {  	s6 =	simm.s32 $0x0;
	s20 =	sshll.u32 s4, $0x1;
	s4 =	sadd.s32 s21, s2  }
0x9d: {  	[timem:s6], [sflag:s22] =	dma.local [hbm:s4], s20  }
0x9e: {  	_ =	swait.ge [sflag:s22], s20  }
0x9f: {  	s3 =	ssub.s32 $0x0, s20;
	[sflag:s22] =	ssyncset.done $0x0  }
0xa0: {  	[sflag:s22] =	ssyncadd.s32 s3;
	_ =	sdelay $0x1  }
0xa1: {  	s23 =	simm.s32 $0x1B8B  }
0xa2: {  	_ =	swait.ge [sflag:s23], $0x1  }
0xa3: {  	[sflag:s23] =	ssyncset.done $0x0  }
0xa4: {  	s25 =	simm.s32 $0x1B8E;
	s24 =	sld [smem:$0x3FFE];
	[sflag:s23] =	ssyncadd.s32 $0xFFFFFFFF  }
0xa5: {  	s26 =	simm.s32 $execute0_lowered;
	[smem:$0x3FD2] =	sst s25  }
0xa6: {  	s4 =	sshll.u32 s26, $0x1;
	_ =	strace $0x80000046;
	[dreg:$0x1] =	wrdreg $0xFFFFFFFF  }
0xa7: {  	s28 =	simm.s32 $_size_execute0_lowered;
	s2 =	sadd.s32 s2, s4;
	[dreg:$0x0] =	wrdreg $0x0  }
0xa8: {  	s4 =	sshll.u32 s28, $0x1;
	[dreg:$0x2] =	wrdreg s2  }
0xa9: {  	[dreg:$0x3] =	wrdreg s4  }
0xaa: {  	[dreg:$0x4] =	wrdreg $0xC0  }
0xab: {  	_ =	task [dreg:s6], $0x5FFFF  }
0xac: {  	[dreg:$0x1] =	wrdreg $0xFFFFFFFF  }
0xad: {  	[dreg:$0x0] =	wrdreg $0x60  }
0xae: {  	[dreg:$0x2] =	wrdreg s24  }
0xaf: {  	[dreg:$0x3] =	wrdreg $0x9  }
0xb0: {  	_ =	task.clear_ibuf [dreg:s6], $0x4FFFF;
	_ =	strace $0x90000046  }
0xb1: {  	s29 =	simm.s32 $0x9;
	_ =	strace $0x80000048  }
0xb2: {  	_ =	swait.ge [sflag:s29], $0x1  }
0xb3: {  	[sflag:s29] =	ssyncadd.s32 $0xFFFFFFFF  }
0xb4: {  	_ =	strace $0x90000048  }
0xb5: {  	_ =	sfence  }
0xb6: {  	s30 =	sld [smem:$0x0];
	_ =	sdelay $0x2  }
0xb7: {  	s31 =	sshll.u32 s1, $0xD;
	s1 =	sshrl.u32 s1, $0x2  }
0xb8: {  	s3 =	sand.u32 $0x4000, s31;
	s1 =	sadd.s32 s1, s30  }
0xb9: {  	s0 =	sor.u32 s3, s0;
	s1 =	sshll.u32 s1, $0x11  }
0xba: {  	s0 =	sor.u32 s1, s0  }
0xbb: {  	s0 =	sadd.s32 $0x8F2B, s0  }
0xbc: {  	[sflag:s0] =	ssyncadd.remote.s32 $0x1  }
0xbd: {  	_ =	sfence.sel $0xFFFF  }
0xbe: {  	[dreg:$0x0] =	wrdreg $0xFFFFFFFF;
	(pc) =	sbr.abs _section_cstart, $3  }
0xbf: {  	[dreg:$0x1] =	wrdreg $0xFFFFFFFF  }
0xc0: {  	_ =	task.clear_ibuf [dreg:s6], $0x2FFFF;
	_ =	strace $0x9FFFFFFF  }
0xc1: {  	(tm) =	ssettm $0x7FFFFFFF  }
tec
execute0_lowered:
.L_overlay_start_1:
0x0: {  	(tag) =	ssettag $0x1  }
0x1: {  	s1 =	srdreg.scid;
	s0 =	stileid.u32  }
0x2: {  	s3 =	rddreg [dreg:$0x0];
	s9 =	simm.s32 $0x400;
	s10 =	simm.s32 $0x9F80  }
0x3: {  	s11 =	simm.s32 $0xA400;
	s12 =	simm.s32 $0x0;
	s4 =	sand.u32 $0x1, s1  }
0x4: {  	s2 =	sshll.u32 s0, $0x1;
	s1 =	rddreg [dreg:$0x1];
	s7 =	sshrl.u32 s0, $0x2  }
0x5: {  	s29 =	sadd.s32 $0x28C00, s3;
	s5 =	sor.u32 s4, s2;
	s7 =	smul.u32 $0x2400, s7  }
0x6: {  	s2 =	simm.s32 $0x0;
	s4 =	ssub.s32 $0x2, s4;
	s6 =	smul.u32 $0x13E8, s5  }
0x7: {  	[smem:$0x7FF] =	sst s2;
	s5 =	sshll.u32 s5, $0x7;
	s8 =	sshrl.u32 s4, $0x1  }
.Ltmp0:
0x8: {  	_ =	strace $0x80000047;
	s5 =	sand.u32 $0x380, s5;
	(pc) =	sbr.rel .LBB2_1-.Ltmp0, $4  }
0x9: {  	s8 =	ssub.s32 s4, s8;
	s6 =	sadd.s32 s6, s3;
	s5 =	sor.u32 s7, s5  }
0xa: {  	s7 =	simm.s32 $0x1;
	s30 =	sadd.s32 $0x9000, s5;
	s3 =	sadd.s32 $0xE00, s6  }
0xb: {  	s5 =	sshrl.u32 s5, $0x3;
	s6 =	smax.u32 s8, $0x1;
	s31 =	sshrl.u32 s30, $0x3  }
0xc: {  	v0 =	vimm.f32 $0.0e+00;
	s8 =	simm.s32 $0x80;
	s4 =	sadd.s32 s29, s5;
	s5 =	sadd.s32 s29, s31  }
.LBB2_7:
0xd: {  	[hbm4b:s4+s8] =	stream.strided.scatter [tilespmem:s10], [sflag:$0x1], $0x480, s9, s8, $0x38;
	[tilespmem:$0xA880] =	vst v63  }
0xe: {  	s12 =	sadd.s32 $0x1, s12;
	_ =	swait.ge [sflag:s7], $0x480  }
0xf: {  	p0 =	sne.s32 s12, s6;
	[sflag:s7] =	ssyncset.done $0x0  }
.Ltmp1:
0x10: {  	[sflag:s7] =	ssyncadd.s32 $0xFFFFFB80;
	(pc) =	sbr.rel @!p0 .LBB2_8-.Ltmp1, $4  }
0x11: {  	[hbm4b:s5+s8] =	stream.strided.scatter [tilespmem:s11], [sflag:$0x1], $0x480, s9, s8, $0x38;
	[tilespmem:$0xA880] =	vst v63  }
0x12: {  	_ =	swait.ge [sflag:s7], $0x480  }
0x13: {  	[sflag:s7] =	ssyncset.done $0x0  }
0x14: {  	[sflag:s7] =	ssyncadd.s32 $0xFFFFFB80  }
.LBB2_1:
0x15: {  	[tilespmem:s2], [sflag:$0x1] =	stream.linear.gather [hbm4b:s3+s2], $0x9F40, $0x38;
	[tilespmem:$0xA880] =	vst v63  }
0x16: {  	_ =	swait.ge [sflag:s7], $0x9F40  }
0x17: {  	[sflag:s7] =	ssyncset.done $0x0  }
0x18: {  	s13 =	simm.s32 $0x0;
	[sflag:s7] =	ssyncadd.s32 $0xFFFF60C0  }
.LBB2_2:
0x19: {  	p0 =	sne.s32 s13, $0x1000  }
.Ltmp2:
0x1a: {  	_ = 	snop;
	(pc) =	sbr.rel @p0 .LBB2_2-.Ltmp2, $4  }
0x1b: {  	_ = 	snop  }
0x1c: {  	s14 =	sshra.s32 s13, $0x2  }
0x1d: {  	[tilespmem:s14+$0x9F80] =	vst v0  }
0x1e: {  	s13 =	sadd.s32 $0x40, s13;
	[tilespmem:s14+$0xA400] =	vst v0  }
.Ltmp3:
0x1f: {  	(pc) =	sbr.rel .LBB2_4-.Ltmp3, $2  }
0x20: {  	_ =	sdelay $0x2  }
0x21: {  	s13 =	simm.s32 $0x0;
	s14 =	simm.s32 $0x86C0  }
.LBB2_6:
0x22: {  	s13 =	sadd.s32 $0x10, s13  }
0x23: {  	p0 =	sne.s32 s13, $0xC40  }
.Ltmp4:
0x24: {  	_ = 	snop;
	(pc) =	sbr.rel @!p0 .LBB2_7-.Ltmp4, $2  }
0x25: {  	_ =	sdelay $0x2  }
0x26: {  	s14 =	sadd.s32 $0x10, s14  }
.LBB2_4:
0x27: {  	s15 =	sand.u32 $0xFF0, s13  }
0x28: {  	v2 =	vld [tilespmem:s15+$0x6200];
	_ =	sdelay $0x4  }
0x29: {  	(erf) = vrcp.f32 v2;
	_ =	sdelay $0x4  }
0x2a: {  	v1 =	vld [tilespmem:s15+$0x7A80];
	_ =	sdelay $0x3  }
0x2b: {  	v3 =	vpop (erf)  }
0x2c: {  	v3 =	vmul.f32 v3, v1;
	_ =	sdelay $0x1  }
0x2d: {  	v4 =	vand.u32 $0x7FFFFF, v3  }
0x2e: {  	v4 =	vor.u32 $0x3F800000, v4  }
0x2f: {  	v5 =	vmul.f32 $5.000000000e-01, v4  }
0x30: {  	vm1 =	vgt.f32 v4, $1.414213540e+00  }
0x31: {  	v48 =	vld [tilespmem:s14+$0xFFFFE780];
	v4 =	vsel vm1, v5, v4  }
0x32: {  	v6 =	vadd.f32 $1.000000000e+00, v4;
	_ =	sdelay $0x1  }
0x33: {  	(erf) = vrcp.f32 v6  }
0x34: {  	(erf) = vrcp.f32 v1  }
0x35: {  	(erf) = vrcp.f32 v48;
	_ =	sdelay $0x4  }
0x36: {  	v49 =	vld [tilespmem:s14+$0x0];
	_ =	sdelay $0x1  }
0x37: {  	v1 =	vpop (erf)  }
0x38: {  	v7 =	vpop (erf)  }
0x39: {  	v8 =	vpop (erf)  }
0x3a: {  	v8 =	vmul.f32 v8, v49;
	_ =	sdelay $0x1  }
0x3b: {  	v9 =	vand.u32 $0x7FFFFF, v8  }
0x3c: {  	v9 =	vor.u32 $0x3F800000, v9  }
0x3d: {  	v10 =	vmul.f32 $5.000000000e-01, v9  }
0x3e: {  	vm0 =	vgt.f32 v9, $1.414213540e+00  }
0x3f: {  	v9 =	vsel vm0, v10, v9  }
0x40: {  	v10 =	vadd.f32 $1.000000000e+00, v9;
	_ =	sdelay $0x1  }
0x41: {  	(erf) = vrcp.f32 v10;
	_ =	sdelay $0x6  }
0x42: {  	v4 =	vadd.f32 $-1.000000000e+00, v4  }
0x43: {  	v9 =	vadd.f32 $-1.000000000e+00, v9  }
0x44: {  	v14 =	vld [tilespmem:s14+$0xFFFFB680];
	v4 =	vmul.f32 v1, v4;
	v1 =	vpop (erf)  }
0x45: {  	v17 =	vld [tilespmem:s14+$0xFFFFCF00];
	v9 =	vmul.f32 v1, v9  }
0x46: {  	v11 =	vld [tilespmem:s15+$0x3100];
	v50 =	vmul.f32 v4, v4  }
0x47: {  	v13 =	vld [tilespmem:s15+$0x4980];
	v12 =	vmul.f32 v9, v9  }
0x48: {  	v1 =	vmul.f32 $1.428571490e-01, v50  }
0x49: {  	v15 =	vmul.f32 $1.428571490e-01, v12  }
0x4a: {  	v3 =	vshrl.u32 v3, $0x17;
	v16 =	vadd.f32 $2.000000030e-01, v1;
	v1 =	vld [tilespmem:s15+$0x9300]  }
0x4b: {  	v53 =	vsub.f32 v14, v17;
	v3 =	vadd.s32 $0xFFFFFF81, v3;
	v15 =	vadd.f32 $2.000000030e-01, v15  }
0x4c: {  	v11 =	vsub.f32 v11, v13;
	v3 =	vcvt.s32.f32 v3;
	v16 =	vmul.f32 v16, v50  }
0x4d: {  	v8 =	vshrl.u32 v8, $0x17;
	(erf) = vrcp.f32 v49;
	v51 =	vmul.f32 v15, v12  }
0x4e: {  	v18 =	vsel vm1, $0x3F800000, v0;
	v8 =	vadd.s32 $0xFFFFFF81, v8;
	v52 =	vadd.f32 $3.333333430e-01, v16  }
0x4f: {  	v8 =	vcvt.s32.f32 v8;
	(v2sf) =	vpush v1, $0x0;
	v6 =	vadd.f32 $3.333333430e-01, v51  }
0x50: {  	v3 =	vadd.f32 v3, v18;
	v55 =	vsel vm0, $0x3F800000, v0;
	v10 =	vmul.f32 v52, v50  }
0x51: {  	v54 =	vld [tilespmem:s14+$0xFFFF7940];
	v4 =	vadd.f32 v4, v4;
	v8 =	vadd.f32 v8, v55;
	v6 =	vmul.f32 v6, v12  }
0x52: {  	v57 =	vld [tilespmem:s14+$0xFFFF8580];
	v11 =	vmul.f32 v11, v11;
	v9 =	vadd.f32 v9, v9;
	v10 =	vadd.f32 $1.000000000e+00, v10  }
0x53: {  	v56 =	vld [tilespmem:s15+$0x1880];
	v13 =	vmul.f32 v53, v53;
	(v2sf) =	vpush v1, $0xF;
	v6 =	vadd.f32 $1.000000000e+00, v6  }
0x54: {  	v58 =	vld [tilespmem:s14+$0xFFFF9E00];
	v2 =	vadd.f32 v11, v2;
	v3 =	vmul.f32 $6.931471820e-01, v3;
	v4 =	vmul.f32 v10, v4  }
0x55: {  	v5 =	vadd.f32 v13, v48;
	v8 =	vmul.f32 $6.931471820e-01, v8;
	v6 =	vmul.f32 v6, v9  }
0x56: {  	v2 =	vmul.f32 v7, v2;
	v59 =	vpop (erf);
	v3 =	vadd.f32 v4, v3  }
0x57: {  	v4 =	vmul.f32 v59, v5;
	v6 =	vadd.f32 v6, v8  }
0x58: {  	v60 =	vsub.f32 v54, v56;
	v2 =	vadd.f32 v3, v2  }
0x59: {  	v3 =	vsub.f32 v57, v58;
	v4 =	vadd.f32 v6, v4  }
0x5a: {  	v5 =	vmul.f32 v60, v60;
	v2 =	vadd.f32 $-1.000000000e+00, v2  }
0x5b: {  	v3 =	vmul.f32 v3, v3;
	v4 =	vadd.f32 $-1.000000000e+00, v4  }
0x5c: {  	v5 =	vmul.f32 $5.000000000e-01, v5;
	v2 =	vmul.f32 $2.500000120e-04, v2  }
0x5d: {  	v3 =	vmul.f32 $5.000000000e-01, v3;
	v4 =	vmul.f32 $2.500000120e-04, v4  }
0x5e: {  	s16 =	spop (v2sf)  }
0x5f: {  	v61 =	vbroadcast v1, $0x0;
	v2 =	vadd.f32 v2, v5;
	s17 =	sshll.u32 s16, $0x4;
	v3 =	vadd.f32 v4, v3  }
0x60: {  	v62 =	vld [tilespmem:s17+$0x9F80]  }
0x61: {  	vm15 =	veq.s32 v1, v61;
	v2 =	vadd.f32 v3, v2;
	v3 =	vld [tilespmem:s17+$0xA400]  }
0x62: {  	s15 =	spop (v2sf);
	v4 =	vsel vm15, $0x3F800000, v0  }
0x63: {  	p0 =	seq.s32 s15, s16;
	v63 =	vmul.f32 v2, v4  }
.Ltmp5:
0x64: {  	_ = 	snop;
	(pc) =	sbr.rel @p0 .LBB2_6-.Ltmp5, $4  }
0x65: {  	v5 =	vadd.f32 v63, v62  }
0x66: {  	v3 =	vadd.f32 v4, v3  }
0x67: {  	[tilespmem:s17+$0x9F80] =	vst v5  }
0x68: {  	[tilespmem:s17+$0xA400] =	vst v3  }
0x69: {  	(v2sf) =	vpush v1, $0x1;
	_ =	sdelay $0x8  }
0x6a: {  	(v2sf) =	vpush v1, $0x2;
	_ =	sdelay $0x5  }
0x6b: {  	s17 =	spop (v2sf)  }
0x6c: {  	v3 =	vbroadcast v1, $0x1;
	p0 =	seq.s32 s17, s16;
	s16 =	simm.f32 $0.0e+00;
	s18 =	sshll.u32 s17, $0x4  }
0x6d: {  	s16 =	simm.s32 @!p0 $0x3F800000;
	v4 =	vld [tilespmem:s18+$0x9F80]  }
0x6e: {  	vm0 =	veq.s32 v1, v3;
	(v2sf) =	vpush v1, $0x3;
	v5 =	vld [tilespmem:s18+$0xA400];
	v3 =	vmov s16  }
0x6f: {  	v3 =	vnsel vm0, $0x0, v3  }
0x70: {  	v6 =	vmul.f32 v2, v3;
	_ =	sdelay $0x1  }
0x71: {  	v4 =	vadd.f32 v4, v6  }
0x72: {  	v3 =	vadd.f32 v5, v3  }
0x73: {  	s29 =	spop (v2sf);
	[tilespmem:s18+$0x9F80] =	vst v4  }
0x74: {  	p0 =	seq.s32 s29, s17;
	s17 =	simm.f32 $0.0e+00;
	s30 =	sshll.u32 s29, $0x4;
	[tilespmem:s18+$0xA400] =	vst v3;
	v3 =	vbroadcast v1, $0x2  }
0x75: {  	s17 =	simm.s32 @!p0 $0x3F800000;
	v4 =	vld [tilespmem:s30+$0x9F80]  }
0x76: {  	(v2sf) =	vpush v1, $0x4;
	v38 =	vld [tilespmem:s30+$0xA400];
	vm14 =	veq.s32 v1, v3;
	v3 =	vmov s17  }
0x77: {  	v3 =	vnsel vm14, $0x0, v3  }
0x78: {  	v39 =	vmul.f32 v2, v3;
	_ =	sdelay $0x1  }
0x79: {  	v4 =	vadd.f32 v4, v39  }
0x7a: {  	v3 =	vadd.f32 v38, v3  }
0x7b: {  	s31 =	spop (v2sf);
	[tilespmem:s30+$0x9F80] =	vst v4  }
0x7c: {  	s16 =	simm.f32 $0.0e+00;
	p0 =	seq.s32 s31, s29;
	s19 =	sshll.u32 s31, $0x4;
	[tilespmem:s30+$0xA400] =	vst v3;
	v3 =	vbroadcast v1, $0x3  }
0x7d: {  	s16 =	simm.s32 @!p0 $0x3F800000;
	v4 =	vld [tilespmem:s19+$0x9F80]  }
0x7e: {  	(v2sf) =	vpush v1, $0x5;
	v40 =	vld [tilespmem:s19+$0xA400];
	vm15 =	veq.s32 v1, v3;
	v3 =	vmov s16  }
0x7f: {  	v3 =	vnsel vm15, $0x0, v3  }
0x80: {  	v41 =	vmul.f32 v2, v3;
	_ =	sdelay $0x1  }
0x81: {  	v4 =	vadd.f32 v4, v41  }
0x82: {  	v3 =	vadd.f32 v40, v3  }
0x83: {  	s20 =	spop (v2sf);
	[tilespmem:s19+$0x9F80] =	vst v4  }
0x84: {  	s17 =	simm.f32 $0.0e+00;
	p0 =	seq.s32 s20, s31;
	s21 =	sshll.u32 s20, $0x4;
	[tilespmem:s19+$0xA400] =	vst v3;
	v3 =	vbroadcast v1, $0x4  }
0x85: {  	s17 =	simm.s32 @!p0 $0x3F800000;
	v4 =	vld [tilespmem:s21+$0x9F80]  }
0x86: {  	(v2sf) =	vpush v1, $0x6;
	v42 =	vld [tilespmem:s21+$0xA400];
	vm4 =	veq.s32 v1, v3;
	v3 =	vmov s17  }
0x87: {  	v3 =	vnsel vm4, $0x0, v3  }
0x88: {  	v43 =	vmul.f32 v2, v3;
	_ =	sdelay $0x1  }
0x89: {  	v4 =	vadd.f32 v4, v43  }
0x8a: {  	v3 =	vadd.f32 v42, v3  }
0x8b: {  	s22 =	spop (v2sf);
	[tilespmem:s21+$0x9F80] =	vst v4  }
0x8c: {  	s16 =	simm.f32 $0.0e+00;
	p0 =	seq.s32 s22, s20;
	s23 =	sshll.u32 s22, $0x4;
	[tilespmem:s21+$0xA400] =	vst v3;
	v3 =	vbroadcast v1, $0x5  }
0x8d: {  	s16 =	simm.s32 @!p0 $0x3F800000;
	v4 =	vld [tilespmem:s23+$0x9F80]  }
0x8e: {  	(v2sf) =	vpush v1, $0x7;
	v44 =	vld [tilespmem:s23+$0xA400];
	vm5 =	veq.s32 v1, v3;
	v3 =	vmov s16  }
0x8f: {  	v3 =	vnsel vm5, $0x0, v3  }
0x90: {  	v45 =	vmul.f32 v2, v3;
	_ =	sdelay $0x1  }
0x91: {  	v4 =	vadd.f32 v4, v45  }
0x92: {  	v3 =	vadd.f32 v44, v3  }
0x93: {  	s24 =	spop (v2sf);
	[tilespmem:s23+$0x9F80] =	vst v4  }
0x94: {  	s17 =	simm.f32 $0.0e+00;
	p0 =	seq.s32 s24, s22;
	s25 =	sshll.u32 s24, $0x4;
	[tilespmem:s23+$0xA400] =	vst v3;
	v3 =	vbroadcast v1, $0x6  }
0x95: {  	s17 =	simm.s32 @!p0 $0x3F800000;
	v4 =	vld [tilespmem:s25+$0x9F80]  }
0x96: {  	(v2sf) =	vpush v1, $0x8;
	v46 =	vld [tilespmem:s25+$0xA400];
	vm6 =	veq.s32 v1, v3;
	v3 =	vmov s17  }
0x97: {  	v3 =	vnsel vm6, $0x0, v3  }
0x98: {  	v47 =	vmul.f32 v2, v3;
	_ =	sdelay $0x1  }
0x99: {  	v4 =	vadd.f32 v4, v47  }
0x9a: {  	v3 =	vadd.f32 v46, v3  }
0x9b: {  	s26 =	spop (v2sf);
	[tilespmem:s25+$0x9F80] =	vst v4  }
0x9c: {  	s16 =	simm.f32 $0.0e+00;
	p0 =	seq.s32 s26, s24;
	s28 =	sshll.u32 s26, $0x4;
	[tilespmem:s25+$0xA400] =	vst v3;
	v3 =	vbroadcast v1, $0x7  }
0x9d: {  	s16 =	simm.s32 @!p0 $0x3F800000;
	v4 =	vld [tilespmem:s28+$0x9F80]  }
0x9e: {  	(v2sf) =	vpush v1, $0x9;
	v48 =	vld [tilespmem:s28+$0xA400];
	vm7 =	veq.s32 v1, v3;
	v3 =	vmov s16  }
0x9f: {  	v3 =	vnsel vm7, $0x0, v3  }
0xa0: {  	v49 =	vmul.f32 v2, v3;
	_ =	sdelay $0x1  }
0xa1: {  	v4 =	vadd.f32 v4, v49  }
0xa2: {  	v3 =	vadd.f32 v48, v3  }
0xa3: {  	s29 =	spop (v2sf);
	[tilespmem:s28+$0x9F80] =	vst v4  }
0xa4: {  	s17 =	simm.f32 $0.0e+00;
	p0 =	seq.s32 s29, s26;
	s30 =	sshll.u32 s29, $0x4;
	[tilespmem:s28+$0xA400] =	vst v3;
	v3 =	vbroadcast v1, $0x8  }
0xa5: {  	s17 =	simm.s32 @!p0 $0x3F800000;
	v4 =	vld [tilespmem:s30+$0x9F80]  }
0xa6: {  	(v2sf) =	vpush v1, $0xA;
	v50 =	vld [tilespmem:s30+$0xA400];
	vm8 =	veq.s32 v1, v3;
	v3 =	vmov s17  }
0xa7: {  	v3 =	vnsel vm8, $0x0, v3  }
0xa8: {  	v51 =	vmul.f32 v2, v3;
	_ =	sdelay $0x1  }
0xa9: {  	v4 =	vadd.f32 v4, v51  }
0xaa: {  	v3 =	vadd.f32 v50, v3  }
0xab: {  	s31 =	spop (v2sf);
	[tilespmem:s30+$0x9F80] =	vst v4  }
0xac: {  	s16 =	simm.f32 $0.0e+00;
	p0 =	seq.s32 s31, s29;
	s19 =	sshll.u32 s31, $0x4;
	[tilespmem:s30+$0xA400] =	vst v3;
	v3 =	vbroadcast v1, $0x9  }
0xad: {  	s16 =	simm.s32 @!p0 $0x3F800000;
	v4 =	vld [tilespmem:s19+$0x9F80]  }
0xae: {  	(v2sf) =	vpush v1, $0xB;
	v52 =	vld [tilespmem:s19+$0xA400];
	vm9 =	veq.s32 v1, v3;
	v3 =	vmov s16  }
0xaf: {  	v3 =	vnsel vm9, $0x0, v3  }
0xb0: {  	v53 =	vmul.f32 v2, v3;
	_ =	sdelay $0x1  }
0xb1: {  	v4 =	vadd.f32 v4, v53  }
0xb2: {  	v3 =	vadd.f32 v52, v3  }
0xb3: {  	s20 =	spop (v2sf);
	[tilespmem:s19+$0x9F80] =	vst v4  }
0xb4: {  	s17 =	simm.f32 $0.0e+00;
	p0 =	seq.s32 s20, s31;
	s21 =	sshll.u32 s20, $0x4;
	[tilespmem:s19+$0xA400] =	vst v3;
	v3 =	vbroadcast v1, $0xA  }
0xb5: {  	s17 =	simm.s32 @!p0 $0x3F800000;
	v4 =	vld [tilespmem:s21+$0x9F80]  }
0xb6: {  	(v2sf) =	vpush v1, $0xC;
	v54 =	vld [tilespmem:s21+$0xA400];
	vm10 =	veq.s32 v1, v3;
	v3 =	vmov s17  }
0xb7: {  	v3 =	vnsel vm10, $0x0, v3  }
0xb8: {  	v55 =	vmul.f32 v2, v3;
	_ =	sdelay $0x1  }
0xb9: {  	v4 =	vadd.f32 v4, v55  }
0xba: {  	v3 =	vadd.f32 v54, v3  }
0xbb: {  	s22 =	spop (v2sf);
	[tilespmem:s21+$0x9F80] =	vst v4  }
0xbc: {  	s16 =	simm.f32 $0.0e+00;
	p0 =	seq.s32 s22, s20;
	s23 =	sshll.u32 s22, $0x4;
	[tilespmem:s21+$0xA400] =	vst v3;
	v3 =	vbroadcast v1, $0xB  }
0xbd: {  	s16 =	simm.s32 @!p0 $0x3F800000;
	v4 =	vld [tilespmem:s23+$0x9F80]  }
0xbe: {  	(v2sf) =	vpush v1, $0xD;
	v56 =	vld [tilespmem:s23+$0xA400];
	vm11 =	veq.s32 v1, v3;
	v3 =	vmov s16  }
0xbf: {  	v3 =	vnsel vm11, $0x0, v3  }
0xc0: {  	v57 =	vmul.f32 v2, v3;
	_ =	sdelay $0x1  }
0xc1: {  	v4 =	vadd.f32 v4, v57  }
0xc2: {  	v3 =	vadd.f32 v56, v3  }
0xc3: {  	s24 =	spop (v2sf);
	[tilespmem:s23+$0x9F80] =	vst v4  }
0xc4: {  	s17 =	simm.f32 $0.0e+00;
	p0 =	seq.s32 s24, s22;
	s25 =	sshll.u32 s24, $0x4;
	[tilespmem:s23+$0xA400] =	vst v3;
	v3 =	vbroadcast v1, $0xC  }
0xc5: {  	s17 =	simm.s32 @!p0 $0x3F800000;
	v4 =	vld [tilespmem:s25+$0x9F80]  }
0xc6: {  	(v2sf) =	vpush v1, $0xE;
	v58 =	vld [tilespmem:s25+$0xA400];
	vm12 =	veq.s32 v1, v3;
	v3 =	vmov s17  }
0xc7: {  	v3 =	vnsel vm12, $0x0, v3  }
0xc8: {  	v59 =	vmul.f32 v2, v3;
	_ =	sdelay $0x1  }
0xc9: {  	v4 =	vadd.f32 v4, v59  }
0xca: {  	v3 =	vadd.f32 v58, v3  }
0xcb: {  	s26 =	spop (v2sf);
	[tilespmem:s25+$0x9F80] =	vst v4  }
0xcc: {  	s16 =	simm.f32 $0.0e+00;
	p0 =	seq.s32 s26, s24;
	s28 =	sshll.u32 s26, $0x4;
	[tilespmem:s25+$0xA400] =	vst v3;
	v3 =	vbroadcast v1, $0xD  }
0xcd: {  	s16 =	simm.s32 @!p0 $0x3F800000;
	v4 =	vld [tilespmem:s28+$0x9F80]  }
0xce: {  	v60 =	vld [tilespmem:s28+$0xA400];
	vm13 =	veq.s32 v1, v3;
	v3 =	vmov s16  }
0xcf: {  	v3 =	vnsel vm13, $0x0, v3  }
0xd0: {  	v61 =	vmul.f32 v2, v3;
	_ =	sdelay $0x1  }
0xd1: {  	v4 =	vadd.f32 v4, v61  }
0xd2: {  	v3 =	vadd.f32 v60, v3  }
0xd3: {  	s29 =	spop (v2sf);
	[tilespmem:s28+$0x9F80] =	vst v4  }
0xd4: {  	s17 =	simm.f32 $0.0e+00;
	p0 =	seq.s32 s29, s26;
	s30 =	sshll.u32 s29, $0x4;
	[tilespmem:s28+$0xA400] =	vst v3;
	v3 =	vbroadcast v1, $0xE  }
0xd5: {  	s17 =	simm.s32 @!p0 $0x3F800000;
	v4 =	vld [tilespmem:s30+$0x9F80]  }
0xd6: {  	v62 =	vmov s17;
	vm14 =	veq.s32 v1, v3;
	v3 =	vld [tilespmem:s30+$0xA400]  }
0xd7: {  	v5 =	vnsel vm14, $0x0, v62  }
0xd8: {  	v63 =	vmul.f32 v2, v5;
	_ =	sdelay $0x1  }
0xd9: {  	v4 =	vadd.f32 v4, v63  }
0xda: {  	v3 =	vadd.f32 v3, v5  }
0xdb: {  	[tilespmem:s30+$0x9F80] =	vst v4  }
0xdc: {  	s31 =	sshll.u32 s15, $0x4;
	p0 =	seq.s32 s15, s29;
	s16 =	simm.f32 $0.0e+00;
	[tilespmem:s30+$0xA400] =	vst v3;
	v3 =	vbroadcast v1, $0xF  }
0xdd: {  	s16 =	simm.s32 @!p0 $0x3F800000;
	v4 =	vld [tilespmem:s31+$0x9F80]  }
0xde: {  	vm15 =	veq.s32 v1, v3;
	v1 =	vmov s16;
	v3 =	vld [tilespmem:s31+$0xA400]  }
0xdf: {  	v1 =	vnsel vm15, $0x0, v1  }
0xe0: {  	v2 =	vmul.f32 v2, v1  }
.Ltmp6:
0xe1: {  	_ = 	snop;
	(pc) =	sbr.rel .LBB2_6-.Ltmp6, $4  }
0xe2: {  	v2 =	vadd.f32 v4, v2  }
0xe3: {  	v1 =	vadd.f32 v3, v1  }
0xe4: {  	[tilespmem:s31+$0x9F80] =	vst v2  }
0xe5: {  	[tilespmem:s31+$0xA400] =	vst v1  }
.LBB2_8:
0xe6: {  	_ =	sfence.sel $0x180000  }
0xe7: {  	[bflag:$0x0] =	sbarrier.arrive $0xFFFF  }
0xe8: {  	p0 =	sne.s32 s0, $0x0;
	_ =	strace $0x90000047  }
0xe9: {  	s0 =	sadd.s32 @!p0 $0x100000, s1;
	[bflag:$0x2] =	sbarrier.arrive $0xFFFF  }
0xea: {  	[sflag:s0] =	ssyncadd.tile.s32 @!p0 $0x1;
	_ =	shalt  }
.Lfunc_end2:
_tile_overlayer_lowered:
.L_overlay_start_2:
0xeb: {  	(tag) =	ssettag $0x2  }
0xec: {  	s0 =	rddreg [dreg:$0x0];
	s2 =	stileid.u32  }
0xed: {  	s1 =	rddreg [dreg:$0x1];
	p0 =	sne.s32 s2, $0x0  }
0xee: {  	s3 =	rddreg [dreg:$0x2];
	[bflag:$0x3] =	sbarrier.arrive $0xFFFF;
	s2 =	simm.s32 @!p0 $0x1C01  }
0xef: {  	[timem:s3], [sflag:s2] =	dma.local @!p0 [hbm:s0], s1  }
0xf0: {  	s0 =	simm.s32 @!p0 $0x1  }
0xf1: {  	_ =	swait.ge @!p0 [sflag:s0], s1  }
0xf2: {  	s1 =	ssub.s32 @!p0 $0x0, s1;
	[sflag:s0] =	ssyncset.done @!p0 $0x0  }
0xf3: {  	[sflag:s0] =	ssyncadd.s32 @!p0 s1  }
0xf4: {  	[bflag:$0x3] =	sbarrier.arrive $0xFFFF  }
0xf5: {  	_ =	shalt  }

</sc_bundles>
